<compile_context>
chip_gen: v7x
topology: tpu7x:2x2x1
jax: 0.10.2.dev20260603
libtpu: 0.0.44.dev20260713+nightly
codegen_flags: <defaults>
</compile_context>

<pallas_src>
import functools

import jax
import jax.numpy as jnp
from jax import lax
from jax.experimental import pallas as pl
from jax.experimental.pallas import tpu as pltpu
from jax.experimental.pallas import tpu_sc as plsc

NUM_GRAPHS = 64
CHUNK = 128
NUM_WORKERS = 32
BLK = 2000



@functools.partial(jax.jit, static_argnames=("n_pad",))
def _sc_aggregate(h, ei, n_pad):
    N, D = h.shape
    E = ei.shape[1]
    total_chunks = E // CHUNK
    nc = (total_chunks // NUM_WORKERS) & ~1
    rem = total_chunks - NUM_WORKERS * nc
    assert 0 <= rem <= NUM_WORKERS and nc % 2 == 0
    rows_pad = n_pad // 16
    rows_out = (N // 16) & ~7
    rows_rem = N - 16 * rows_out
    nzc = rows_pad // CHUNK
    mesh = plsc.VectorSubcoreMesh(core_axis_name="c", subcore_axis_name="s",
                                  num_cores=2, num_subcores=16)

    @functools.partial(
        pl.kernel,
        out_type=jax.ShapeDtypeStruct((2, N, D), jnp.float32),
        mesh=mesh,
        scratch_types=[
            pltpu.VMEM(((nc + 1) * CHUNK,), jnp.int32),
            pltpu.VMEM((CHUNK,), jnp.int32),
            pltpu.VMEM((CHUNK,), jnp.int32),
            pltpu.VMEM((CHUNK, D), jnp.float32),
            pltpu.VMEM((CHUNK, D), jnp.float32),
            pltpu.VMEM_SHARED((n_pad, D), jnp.float32),
            pltpu.SemaphoreType.DMA,
            pltpu.SemaphoreType.DMA,
            pltpu.SemaphoreType.DMA,
            pltpu.SemaphoreType.DMA,
        ],
    )
    def agg_kernel(h_hbm, ei_hbm, out_hbm,
                   sidx, didx0, didx1, rows0, rows1, acc, g0, g1, d0, d1):
        c = lax.axis_index("c")
        s = lax.axis_index("s")
        wid = c * 16 + s
        ebase = wid * (nc * CHUNK)

        pltpu.async_copy(ei_hbm.at[0, pl.ds(ebase, nc * CHUNK)],
                         sidx.at[pl.ds(0, nc * CHUNK)], g1)

        def zbody(r, carry):
            for j in range(D // 16):
                rows0[r, pl.ds(j * 16, 16)] = jnp.zeros((16,), jnp.float32)
            return carry
        lax.fori_loop(0, CHUNK, zbody, 0)
        zbase = s * rows_pad
        for j in range(nzc):
            pltpu.async_copy(rows0, acc.at[pl.ds(zbase + j * CHUNK, CHUNK)],
                             d0 if j % 2 == 0 else d1)
        pltpu.make_async_copy(ei_hbm.at[0, pl.ds(0, nc * CHUNK)],
                              sidx.at[pl.ds(0, nc * CHUNK)], g1).wait()
        for j in range(nzc):
            pltpu.make_async_copy(rows0,
                                  acc.at[pl.ds(zbase + j * CHUNK, CHUNK)],
                                  d0 if j % 2 == 0 else d1).wait()
        plsc.subcore_barrier()

        def sslc(k):
            return sidx.at[pl.ds(k * CHUNK, CHUNK)]

        def dslc(k):
            return ei_hbm.at[1, pl.ds(ebase + k * CHUNK, CHUNK)]

        pltpu.async_copy(dslc(0), didx0, d0)
        pltpu.async_copy(dslc(1), didx1, d1)
        pltpu.async_copy(h_hbm.at[sslc(0)], rows0, g0)

        def lbody(i, carry):
            k = i * 2
            pltpu.async_copy(h_hbm.at[sslc(k + 1)], rows1, g1)
            pltpu.make_async_copy(h_hbm.at[sslc(k)], rows0, g0).wait()
            pltpu.make_async_copy(dslc(0), didx0, d0).wait()
            pltpu.sync_copy(rows0, acc.at[didx0], add=True)
            nxt = jnp.minimum(k + 2, nc - 1)
            pltpu.async_copy(dslc(nxt), didx0, d0)
            pltpu.async_copy(h_hbm.at[sslc(nxt)], rows0, g0)
            pltpu.make_async_copy(h_hbm.at[sslc(k + 1)], rows1, g1).wait()
            pltpu.make_async_copy(dslc(0), didx1, d1).wait()
            pltpu.sync_copy(rows1, acc.at[didx1], add=True)
            nxt1 = jnp.minimum(k + 3, nc - 1)
            pltpu.async_copy(dslc(nxt1), didx1, d1)
            return carry
        lax.fori_loop(0, nc // 2, lbody, 0)
        pltpu.make_async_copy(h_hbm.at[sslc(nc - 1)], rows0, g0).wait()
        pltpu.make_async_copy(dslc(0), didx0, d0).wait()
        pltpu.make_async_copy(dslc(0), didx1, d1).wait()

        if rem:
            @pl.when(wid < rem)
            def _():
                tb = (NUM_WORKERS * nc + wid) * CHUNK
                pltpu.sync_copy(ei_hbm.at[0, pl.ds(tb, CHUNK)],
                                sidx.at[pl.ds(nc * CHUNK, CHUNK)])
                pltpu.async_copy(ei_hbm.at[1, pl.ds(tb, CHUNK)], didx0, d0)
                pltpu.async_copy(h_hbm.at[sslc(nc)], rows0, g0)
                pltpu.make_async_copy(h_hbm.at[sslc(nc)], rows0, g0).wait()
                pltpu.make_async_copy(dslc(0), didx0, d0).wait()
                pltpu.sync_copy(rows0, acc.at[didx0], add=True)
        plsc.subcore_barrier()

        ob = s * rows_out
        pltpu.sync_copy(acc.at[pl.ds(ob, rows_out)],
                        out_hbm.at[c, pl.ds(ob, rows_out)])
        if rows_rem:
            @pl.when(s == 15)
            def _():
                rb = 16 * rows_out
                pltpu.sync_copy(acc.at[pl.ds(rb, rows_rem)],
                                out_hbm.at[c, pl.ds(rb, rows_rem)])

    return agg_kernel(h, ei)



def _layer_tc(h, agg, batch_r, w1, b1, w2, b2, with_x_readout):
    N, D = h.shape
    IH = w1.shape[1]
    DO = w2.shape[1]
    nb = N // BLK

    def body(h_ref, a_ref, b_ref, w1_ref, b1_ref, w2_ref, b2_ref,
             hn_ref, ro_ref, *maybe_rox):
        i = pl.program_id(0)
        z = h_ref[...] + a_ref[0] + a_ref[1]
        hm = jnp.maximum(
            jnp.dot(z, w1_ref[...], preferred_element_type=jnp.float32)
            + b1_ref[...], 0.0)
        hn = (jnp.dot(hm, w2_ref[...], preferred_element_type=jnp.float32)
              + b2_ref[...])
        hn_ref[...] = hn
        bvec = b_ref[0, 0, :]
        onehot = (bvec[None, :] == lax.broadcasted_iota(
            jnp.int32, (NUM_GRAPHS, BLK), 0)).astype(jnp.float32)

        @pl.when(i == 0)
        def _():
            ro_ref[...] = jnp.zeros_like(ro_ref)
        ro_ref[...] += jnp.dot(onehot, hn,
                               preferred_element_type=jnp.float32)
        if maybe_rox:
            rox_ref = maybe_rox[0]

            @pl.when(i == 0)
            def _():
                rox_ref[...] = jnp.zeros_like(rox_ref)
            rox_ref[...] += jnp.dot(onehot, h_ref[...],
                                    preferred_element_type=jnp.float32)

    out_shape = [jax.ShapeDtypeStruct((N, DO), jnp.float32),
                 jax.ShapeDtypeStruct((NUM_GRAPHS, DO), jnp.float32)]
    out_specs = [pl.BlockSpec((BLK, DO), lambda i: (i, 0)),
                 pl.BlockSpec((NUM_GRAPHS, DO), lambda i: (0, 0))]
    if with_x_readout:
        out_shape.append(jax.ShapeDtypeStruct((NUM_GRAPHS, D), jnp.float32))
        out_specs.append(pl.BlockSpec((NUM_GRAPHS, D), lambda i: (0, 0)))

    return pl.pallas_call(
        body,
        grid=(nb,),
        in_specs=[
            pl.BlockSpec((BLK, D), lambda i: (i, 0)),
            pl.BlockSpec((2, BLK, D), lambda i: (0, i, 0)),
            pl.BlockSpec((1, 1, BLK), lambda i: (i, 0, 0)),
            pl.BlockSpec((D, IH), lambda i: (0, 0)),
            pl.BlockSpec((1, IH), lambda i: (0, 0)),
            pl.BlockSpec((IH, DO), lambda i: (0, 0)),
            pl.BlockSpec((1, DO), lambda i: (0, 0)),
        ],
        out_specs=out_specs,
        out_shape=out_shape,
    )(h, agg, batch_r, w1, b1.reshape(1, IH), w2, b2.reshape(1, DO))


def _final_tc(ro0, ro1, ro2, ro3, f_w1, f_b1, f_w2, f_b2):
    G, D = ro0.shape
    OI = f_w1.shape[1]
    OD = f_w2.shape[1]

    def body(r0, r1, r2, r3, w10, w11, w12, w13, fb1, fw2, fb2, out):
        z = (jnp.dot(r0[...], w10[...], preferred_element_type=jnp.float32)
             + jnp.dot(r1[...], w11[...], preferred_element_type=jnp.float32)
             + jnp.dot(r2[...], w12[...], preferred_element_type=jnp.float32)
             + jnp.dot(r3[...], w13[...], preferred_element_type=jnp.float32)
             + fb1[...])
        z = jnp.maximum(z, 0.0)
        out[...] = (jnp.dot(z, fw2[...], preferred_element_type=jnp.float32)
                    + fb2[...])

    return pl.pallas_call(
        body,
        out_shape=jax.ShapeDtypeStruct((G, OD), jnp.float32),
    )(ro0, ro1, ro2, ro3,
      f_w1[0 * D:1 * D], f_w1[1 * D:2 * D], f_w1[2 * D:3 * D],
      f_w1[3 * D:4 * D],
      f_b1.reshape(1, OI), f_w2, f_b2.reshape(1, OD))



def kernel(x, edge_index, batch,
           l0_w1, l0_b1, l0_w2, l0_b2,
           l1_w1, l1_b1, l1_w2, l1_b2,
           l2_w1, l2_b1, l2_w2, l2_b2,
           f_w1, f_b1, f_w2, f_b2):
    N, D = x.shape
    E = edge_index.shape[1]

    n_pad = -(-(N + 1) // (16 * CHUNK)) * (16 * CHUNK)
    ei = edge_index.astype(jnp.int32)
    if E % CHUNK:
        e_pad = -(-E // CHUNK) * CHUNK
        pad_ar = jnp.arange(e_pad - E, dtype=jnp.int32)
        pad = jnp.stack([pad_ar % N, N + pad_ar % (n_pad - N)])
        ei = jnp.concatenate([ei, pad], axis=1)

    nb = N // BLK
    batch_r = batch.astype(jnp.int32).reshape(nb, 1, BLK)

    agg = _sc_aggregate(x, ei, n_pad=n_pad)
    h1, ro1, ro0 = _layer_tc(x, agg, batch_r,
                             l0_w1, l0_b1, l0_w2, l0_b2, True)
    agg = _sc_aggregate(h1, ei, n_pad=n_pad)
    h2, ro2 = _layer_tc(h1, agg, batch_r,
                        l1_w1, l1_b1, l1_w2, l1_b2, False)
    agg = _sc_aggregate(h2, ei, n_pad=n_pad)
    h3, ro3 = _layer_tc(h2, agg, batch_r,
                        l2_w1, l2_b1, l2_w2, l2_b2, False)
    return _final_tc(ro0, ro1, ro2, ro3, f_w1, f_b1, f_w2, f_b2)

# --- scband reference (transcript-rebuilt; emitter-appended) ---
"""Pipeline reference for scband-ginencoder-3556232921561 (READ-ONLY COPY).

The authoritative reference and input builder live on the scoring server;
editing this copy changes nothing except your own understanding.
"""

import jax, jax.numpy as jnp
import numpy as np

N = 10000; E = 320000; D = 128; H = 128; IH = 128; OI = 128; OD = 64; G = 64; L = 3

def setup_inputs(seed: int = 0):
    key = jax.random.key(seed)
    ks = jax.random.split(key, 32)
    inp = {}
    inp['x'] = jax.random.normal(ks[0], (N, D), dtype=jnp.float32)
    inp['edge_index'] = jax.random.randint(ks[1], (2, E), 0, N)
    inp['batch'] = jnp.sort(jax.random.randint(ks[2], (N,), 0, G))
    dims = [(D, IH, H), (H, IH, H), (H, IH, H)]
    ki = 3
    for i, (din, dmid, dout) in enumerate(dims):
        inp['l%d_w1' % i] = jax.random.normal(ks[ki], (din, dmid), dtype=jnp.float32) / np.sqrt(din); ki += 1
        inp['l%d_b1' % i] = jnp.zeros((dmid,), dtype=jnp.float32)
        inp['l%d_w2' % i] = jax.random.normal(ks[ki], (dmid, dout), dtype=jnp.float32) / np.sqrt(dmid); ki += 1
        inp['l%d_b2' % i] = jnp.zeros((dout,), dtype=jnp.float32)
    cat_dim = D + L * H
    inp['f_w1'] = jax.random.normal(ks[ki], (cat_dim, OI), dtype=jnp.float32) / np.sqrt(cat_dim); ki += 1
    inp['f_b1'] = jnp.zeros((OI,), dtype=jnp.float32)
    inp['f_w2'] = jax.random.normal(ks[ki], (OI, OD), dtype=jnp.float32) / np.sqrt(OI); ki += 1
    inp['f_b2'] = jnp.zeros((OD,), dtype=jnp.float32)
    return inp

def _mlp(h, w1, b1, w2, b2):
    return jnp.maximum(h @ w1 + b1, 0.0) @ w2 + b2

def _gin_conv(x, edge_index, w1, b1, w2, b2):
    # GINConv with default eps=0: out = MLP((1+eps)*x + sum_{j->i} x_j)
    src = edge_index[0]
    dst = edge_index[1]
    agg = jax.ops.segment_sum(x[src], dst, num_segments=x.shape[0])
    return _mlp(x + agg, w1, b1, w2, b2)

def reference(x, edge_index, batch,
              l0_w1, l0_b1, l0_w2, l0_b2,
              l1_w1, l1_b1, l1_w2, l1_b2,
              l2_w1, l2_b1, l2_w2, l2_b2,
              f_w1, f_b1, f_w2, f_b2):
    readouts = [jax.ops.segment_sum(x, batch, num_segments=G)]
    params = [(l0_w1, l0_b1, l0_w2, l0_b2),
              (l1_w1, l1_b1, l1_w2, l1_b2),
              (l2_w1, l2_b1, l2_w2, l2_b2)]
    h = x
    for (w1, b1, w2, b2) in params:
        h = _gin_conv(h, edge_index, w1, b1, w2, b2)
        readouts.append(jax.ops.segment_sum(h, batch, num_segments=G))
    cat = jnp.concatenate(readouts, axis=-1)
    return _mlp(cat, f_w1, f_b1, f_w2, f_b2)

if __name__ == "__main__":
    import jax
    _d = setup_inputs()
    print(jax.jit(kernel)(*tuple(_d.values())))

</pallas_src>

<mosaic_0001>
#map = affine_map<(d0, d1) -> (0, 0)>
#map1 = affine_map<(d0, d1) -> (0, 0, 0)>
module attributes {stable_mosaic.version = 14 : i64} {
  func.func @agg_kernel(%arg0: i32, %arg1: i32, %arg2: memref<10000x128xf32, #tpu.memory_space<hbm>>, %arg3: memref<2x320000xi32, #tpu.memory_space<hbm>>, %arg4: memref<2x10000x128xf32, #tpu.memory_space<hbm>>, %arg5: memref<10112xi32, #tpu.memory_space<vmem>>, %arg6: memref<128xi32, #tpu.memory_space<vmem>>, %arg7: memref<128xi32, #tpu.memory_space<vmem>>, %arg8: memref<128x128xf32, #tpu.memory_space<vmem>>, %arg9: memref<128x128xf32, #tpu.memory_space<vmem>>, %arg10: memref<10240x128xf32, #tpu.memory_space<vmem_shared>>, %arg11: memref<!tpu.dma_semaphore, #tpu.memory_space<semaphore_mem>>, %arg12: memref<!tpu.dma_semaphore, #tpu.memory_space<semaphore_mem>>, %arg13: memref<!tpu.dma_semaphore, #tpu.memory_space<semaphore_mem>>, %arg14: memref<!tpu.dma_semaphore, #tpu.memory_space<semaphore_mem>>) attributes {dimension_semantics = [#tpu.dimension_semantics<core_parallel>, #tpu.dimension_semantics<subcore_parallel>], iteration_bounds = array<i64: 2, 16>, scalar_prefetch = 0 : i64, scratch_operands = 10 : i64, tpu.core_type = #tpu.core_type<sc_vector_subcore>, window_params = [{transform_indices = #map}, {transform_indices = #map}, {transform_indices = #map1}]} {
    %mul3A = arith.constant 16 : i32
    %mul3A_0 = arith.muli %arg0, %mul3A : i32
    %add3A = arith.addi %mul3A_0, %arg1 : i32
    %mul3A_1 = arith.constant 9984 : i32
    %mul3A_2 = arith.muli %add3A, %mul3A_1 : i32
    %dma_start3A = arith.constant 0 : i32
    %dma_start3A_3 = arith.constant 0 : i32
    %dma_start3A_4 = tpu.memref_slice %arg5[%dma_start3A_3] : memref<10112xi32, #tpu.memory_space<vmem>> -> memref<9984xi32, #tpu.memory_space<vmem>>
    %dma_start3A_5 = tpu.memref_slice %arg3[%dma_start3A, %mul3A_2] : memref<2x320000xi32, #tpu.memory_space<hbm>> -> memref<1x9984xi32, #tpu.memory_space<hbm>>
    %dma_start3A_6 = tpu.memref_squeeze %dma_start3A_5 : memref<1x9984xi32, #tpu.memory_space<hbm>> -> memref<9984xi32, #tpu.memory_space<hbm>>
    %dma_start3A_7 = arith.constant 0 : i32
    %dma_start3A_8 = tpu.memref_slice %arg5[%dma_start3A_7] : memref<10112xi32, #tpu.memory_space<vmem>> -> memref<9984xi32, #tpu.memory_space<vmem>>
    %dma_start3A_9 = tpu.memref_slice %arg3[%dma_start3A, %mul3A_2] : memref<2x320000xi32, #tpu.memory_space<hbm>> -> memref<1x9984xi32, #tpu.memory_space<hbm>>
    %dma_start3A_10 = tpu.memref_squeeze %dma_start3A_9 : memref<1x9984xi32, #tpu.memory_space<hbm>> -> memref<9984xi32, #tpu.memory_space<hbm>>
    tpu.enqueue_dma source(%dma_start3A_10 : memref<9984xi32, #tpu.memory_space<hbm>>) target(%dma_start3A_8 : memref<9984xi32, #tpu.memory_space<vmem>>) target_semaphore(%arg12 : memref<!tpu.dma_semaphore, #tpu.memory_space<semaphore_mem>>)
    %scan3A = arith.constant 0 : i32
    %scan3A_11 = arith.constant 0 : i32
    %scan3A_12 = arith.constant 128 : i32
    %scan3A_13 = arith.addi %scan3A_11, %scan3A_12 : i32
    %scan3A_14 = arith.constant 1 : i32
    scf.for %scan3A_141 = %scan3A_11 to %scan3A_13 step %scan3A_14  : i32 {
      %broadcast_in_dim3A = arith.constant 0.000000e+00 : f32
      %broadcast_in_dim3A_142 = vector.broadcast %broadcast_in_dim3A : f32 to vector<16xf32>
      %swap3A = arith.index_cast %scan3A_141 : i32 to index
      %swap3A_143 = arith.constant 0 : index
      %swap3A_144 = tpu.vector_load %arg8[%swap3A, %swap3A_143] {strides = array<i32>} : memref<128x128xf32, #tpu.memory_space<vmem>>, vector<1x16xf32>,
      %swap3A_145 = vector.shape_cast %swap3A_144 : vector<1x16xf32> to vector<16xf32>
      %swap3A_146 = vector.shape_cast %broadcast_in_dim3A_142 : vector<16xf32> to vector<1x16xf32>
      tpu.vector_store %arg8[%swap3A, %swap3A_143], %swap3A_146 {strides = array<i32>} : memref<128x128xf32, #tpu.memory_space<vmem>>, vector<1x16xf32>,
      %broadcast_in_dim3A_147 = arith.constant 0.000000e+00 : f32
      %broadcast_in_dim3A_148 = vector.broadcast %broadcast_in_dim3A_147 : f32 to vector<16xf32>
      %swap3A_149 = arith.index_cast %scan3A_141 : i32 to index
      %swap3A_150 = arith.constant 16 : index
      %swap3A_151 = tpu.vector_load %arg8[%swap3A_149, %swap3A_150] {strides = array<i32>} : memref<128x128xf32, #tpu.memory_space<vmem>>, vector<1x16xf32>,
      %swap3A_152 = vector.shape_cast %swap3A_151 : vector<1x16xf32> to vector<16xf32>
      %swap3A_153 = vector.shape_cast %broadcast_in_dim3A_148 : vector<16xf32> to vector<1x16xf32>
      tpu.vector_store %arg8[%swap3A_149, %swap3A_150], %swap3A_153 {strides = array<i32>} : memref<128x128xf32, #tpu.memory_space<vmem>>, vector<1x16xf32>,
      %broadcast_in_dim3A_154 = arith.constant 0.000000e+00 : f32
      %broadcast_in_dim3A_155 = vector.broadcast %broadcast_in_dim3A_154 : f32 to vector<16xf32>
      %swap3A_156 = arith.index_cast %scan3A_141 : i32 to index
      %swap3A_157 = arith.constant 32 : index
      %swap3A_158 = tpu.vector_load %arg8[%swap3A_156, %swap3A_157] {strides = array<i32>} : memref<128x128xf32, #tpu.memory_space<vmem>>, vector<1x16xf32>,
      %swap3A_159 = vector.shape_cast %swap3A_158 : vector<1x16xf32> to vector<16xf32>
      %swap3A_160 = vector.shape_cast %broadcast_in_dim3A_155 : vector<16xf32> to vector<1x16xf32>
      tpu.vector_store %arg8[%swap3A_156, %swap3A_157], %swap3A_160 {strides = array<i32>} : memref<128x128xf32, #tpu.memory_space<vmem>>, vector<1x16xf32>,
      %broadcast_in_dim3A_161 = arith.constant 0.000000e+00 : f32
      %broadcast_in_dim3A_162 = vector.broadcast %broadcast_in_dim3A_161 : f32 to vector<16xf32>
      %swap3A_163 = arith.index_cast %scan3A_141 : i32 to index
      %swap3A_164 = arith.constant 48 : index
      %swap3A_165 = tpu.vector_load %arg8[%swap3A_163, %swap3A_164] {strides = array<i32>} : memref<128x128xf32, #tpu.memory_space<vmem>>, vector<1x16xf32>,
      %swap3A_166 = vector.shape_cast %swap3A_165 : vector<1x16xf32> to vector<16xf32>
      %swap3A_167 = vector.shape_cast %broadcast_in_dim3A_162 : vector<16xf32> to vector<1x16xf32>
      tpu.vector_store %arg8[%swap3A_163, %swap3A_164], %swap3A_167 {strides = array<i32>} : memref<128x128xf32, #tpu.memory_space<vmem>>, vector<1x16xf32>,
      %broadcast_in_dim3A_168 = arith.constant 0.000000e+00 : f32
      %broadcast_in_dim3A_169 = vector.broadcast %broadcast_in_dim3A_168 : f32 to vector<16xf32>
      %swap3A_170 = arith.index_cast %scan3A_141 : i32 to index
      %swap3A_171 = arith.constant 64 : index
      %swap3A_172 = tpu.vector_load %arg8[%swap3A_170, %swap3A_171] {strides = array<i32>} : memref<128x128xf32, #tpu.memory_space<vmem>>, vector<1x16xf32>,
      %swap3A_173 = vector.shape_cast %swap3A_172 : vector<1x16xf32> to vector<16xf32>
      %swap3A_174 = vector.shape_cast %broadcast_in_dim3A_169 : vector<16xf32> to vector<1x16xf32>
      tpu.vector_store %arg8[%swap3A_170, %swap3A_171], %swap3A_174 {strides = array<i32>} : memref<128x128xf32, #tpu.memory_space<vmem>>, vector<1x16xf32>,
      %broadcast_in_dim3A_175 = arith.constant 0.000000e+00 : f32
      %broadcast_in_dim3A_176 = vector.broadcast %broadcast_in_dim3A_175 : f32 to vector<16xf32>
      %swap3A_177 = arith.index_cast %scan3A_141 : i32 to index
      %swap3A_178 = arith.constant 80 : index
      %swap3A_179 = tpu.vector_load %arg8[%swap3A_177, %swap3A_178] {strides = array<i32>} : memref<128x128xf32, #tpu.memory_space<vmem>>, vector<1x16xf32>,
      %swap3A_180 = vector.shape_cast %swap3A_179 : vector<1x16xf32> to vector<16xf32>
      %swap3A_181 = vector.shape_cast %broadcast_in_dim3A_176 : vector<16xf32> to vector<1x16xf32>
      tpu.vector_store %arg8[%swap3A_177, %swap3A_178], %swap3A_181 {strides = array<i32>} : memref<128x128xf32, #tpu.memory_space<vmem>>, vector<1x16xf32>,
      %broadcast_in_dim3A_182 = arith.constant 0.000000e+00 : f32
      %broadcast_in_dim3A_183 = vector.broadcast %broadcast_in_dim3A_182 : f32 to vector<16xf32>
      %swap3A_184 = arith.index_cast %scan3A_141 : i32 to index
      %swap3A_185 = arith.constant 96 : index
      %swap3A_186 = tpu.vector_load %arg8[%swap3A_184, %swap3A_185] {strides = array<i32>} : memref<128x128xf32, #tpu.memory_space<vmem>>, vector<1x16xf32>,
      %swap3A_187 = vector.shape_cast %swap3A_186 : vector<1x16xf32> to vector<16xf32>
      %swap3A_188 = vector.shape_cast %broadcast_in_dim3A_183 : vector<16xf32> to vector<1x16xf32>
      tpu.vector_store %arg8[%swap3A_184, %swap3A_185], %swap3A_188 {strides = array<i32>} : memref<128x128xf32, #tpu.memory_space<vmem>>, vector<1x16xf32>,
      %broadcast_in_dim3A_189 = arith.constant 0.000000e+00 : f32
      %broadcast_in_dim3A_190 = vector.broadcast %broadcast_in_dim3A_189 : f32 to vector<16xf32>
      %swap3A_191 = arith.index_cast %scan3A_141 : i32 to index
      %swap3A_192 = arith.constant 112 : index
      %swap3A_193 = tpu.vector_load %arg8[%swap3A_191, %swap3A_192] {strides = array<i32>} : memref<128x128xf32, #tpu.memory_space<vmem>>, vector<1x16xf32>,
      %swap3A_194 = vector.shape_cast %swap3A_193 : vector<1x16xf32> to vector<16xf32>
      %swap3A_195 = vector.shape_cast %broadcast_in_dim3A_190 : vector<16xf32> to vector<1x16xf32>
      tpu.vector_store %arg8[%swap3A_191, %swap3A_192], %swap3A_195 {strides = array<i32>} : memref<128x128xf32, #tpu.memory_space<vmem>>, vector<1x16xf32>,
    }
    %scan3A_15 = arith.constant 128 : i32
    %mul3A_16 = arith.constant 640 : i32
    %mul3A_17 = arith.muli %arg1, %mul3A_16 : i32
    %add3A_18 = arith.constant 0 : i32
    %add3A_19 = arith.addi %mul3A_17, %add3A_18 : i32
    %dma_start3A_20 = arith.constant 0 : i32
    %dma_start3A_21 = tpu.memref_slice %arg10[%add3A_19, %dma_start3A_20] : memref<10240x128xf32, #tpu.memory_space<vmem_shared>> -> memref<128x128xf32, #tpu.memory_space<vmem_shared>>
    %dma_start3A_22 = arith.constant 0 : i32
    %dma_start3A_23 = tpu.memref_slice %arg10[%add3A_19, %dma_start3A_22] : memref<10240x128xf32, #tpu.memory_space<vmem_shared>> -> memref<128x128xf32, #tpu.memory_space<vmem_shared>>
    tpu.enqueue_dma source(%arg8 : memref<128x128xf32, #tpu.memory_space<vmem>>) target(%dma_start3A_23 : memref<128x128xf32, #tpu.memory_space<vmem_shared>>) target_semaphore(%arg13 : memref<!tpu.dma_semaphore, #tpu.memory_space<semaphore_mem>>)
    %add3A_24 = arith.constant 128 : i32
    %add3A_25 = arith.addi %mul3A_17, %add3A_24 : i32
    %dma_start3A_26 = arith.constant 0 : i32
    %dma_start3A_27 = tpu.memref_slice %arg10[%add3A_25, %dma_start3A_26] : memref<10240x128xf32, #tpu.memory_space<vmem_shared>> -> memref<128x128xf32, #tpu.memory_space<vmem_shared>>
    %dma_start3A_28 = arith.constant 0 : i32
    %dma_start3A_29 = tpu.memref_slice %arg10[%add3A_25, %dma_start3A_28] : memref<10240x128xf32, #tpu.memory_space<vmem_shared>> -> memref<128x128xf32, #tpu.memory_space<vmem_shared>>
    tpu.enqueue_dma source(%arg8 : memref<128x128xf32, #tpu.memory_space<vmem>>) target(%dma_start3A_29 : memref<128x128xf32, #tpu.memory_space<vmem_shared>>) target_semaphore(%arg14 : memref<!tpu.dma_semaphore, #tpu.memory_space<semaphore_mem>>)
    %add3A_30 = arith.constant 256 : i32
    %add3A_31 = arith.addi %mul3A_17, %add3A_30 : i32
    %dma_start3A_32 = arith.constant 0 : i32
    %dma_start3A_33 = tpu.memref_slice %arg10[%add3A_31, %dma_start3A_32] : memref<10240x128xf32, #tpu.memory_space<vmem_shared>> -> memref<128x128xf32, #tpu.memory_space<vmem_shared>>
    %dma_start3A_34 = arith.constant 0 : i32
    %dma_start3A_35 = tpu.memref_slice %arg10[%add3A_31, %dma_start3A_34] : memref<10240x128xf32, #tpu.memory_space<vmem_shared>> -> memref<128x128xf32, #tpu.memory_space<vmem_shared>>
    tpu.enqueue_dma source(%arg8 : memref<128x128xf32, #tpu.memory_space<vmem>>) target(%dma_start3A_35 : memref<128x128xf32, #tpu.memory_space<vmem_shared>>) target_semaphore(%arg13 : memref<!tpu.dma_semaphore, #tpu.memory_space<semaphore_mem>>)
    %add3A_36 = arith.constant 384 : i32
    %add3A_37 = arith.addi %mul3A_17, %add3A_36 : i32
    %dma_start3A_38 = arith.constant 0 : i32
    %dma_start3A_39 = tpu.memref_slice %arg10[%add3A_37, %dma_start3A_38] : memref<10240x128xf32, #tpu.memory_space<vmem_shared>> -> memref<128x128xf32, #tpu.memory_space<vmem_shared>>
    %dma_start3A_40 = arith.constant 0 : i32
    %dma_start3A_41 = tpu.memref_slice %arg10[%add3A_37, %dma_start3A_40] : memref<10240x128xf32, #tpu.memory_space<vmem_shared>> -> memref<128x128xf32, #tpu.memory_space<vmem_shared>>
    tpu.enqueue_dma source(%arg8 : memref<128x128xf32, #tpu.memory_space<vmem>>) target(%dma_start3A_41 : memref<128x128xf32, #tpu.memory_space<vmem_shared>>) target_semaphore(%arg14 : memref<!tpu.dma_semaphore, #tpu.memory_space<semaphore_mem>>)
    %add3A_42 = arith.constant 512 : i32
    %add3A_43 = arith.addi %mul3A_17, %add3A_42 : i32
    %dma_start3A_44 = arith.constant 0 : i32
    %dma_start3A_45 = tpu.memref_slice %arg10[%add3A_43, %dma_start3A_44] : memref<10240x128xf32, #tpu.memory_space<vmem_shared>> -> memref<128x128xf32, #tpu.memory_space<vmem_shared>>
    %dma_start3A_46 = arith.constant 0 : i32
    %dma_start3A_47 = tpu.memref_slice %arg10[%add3A_43, %dma_start3A_46] : memref<10240x128xf32, #tpu.memory_space<vmem_shared>> -> memref<128x128xf32, #tpu.memory_space<vmem_shared>>
    tpu.enqueue_dma source(%arg8 : memref<128x128xf32, #tpu.memory_space<vmem>>) target(%dma_start3A_47 : memref<128x128xf32, #tpu.memory_space<vmem_shared>>) target_semaphore(%arg13 : memref<!tpu.dma_semaphore, #tpu.memory_space<semaphore_mem>>)
    %dma_wait3A = arith.constant 0 : i32
    %dma_wait3A_48 = arith.constant 0 : i32
    %dma_wait3A_49 = tpu.memref_slice %arg5[%dma_wait3A_48] : memref<10112xi32, #tpu.memory_space<vmem>> -> memref<9984xi32, #tpu.memory_space<vmem>>
    %dma_wait3A_50 = arith.constant 0 : i32
    %dma_wait3A_51 = tpu.memref_slice %arg3[%dma_wait3A, %dma_wait3A_50] : memref<2x320000xi32, #tpu.memory_space<hbm>> -> memref<1x9984xi32, #tpu.memory_space<hbm>>
    %dma_wait3A_52 = tpu.memref_squeeze %dma_wait3A_51 : memref<1x9984xi32, #tpu.memory_space<hbm>> -> memref<9984xi32, #tpu.memory_space<hbm>>
    %dma_wait3A_53 = arith.constant 0 : i32
    %dma_wait3A_54 = tpu.memref_slice %arg5[%dma_wait3A_53] : memref<10112xi32, #tpu.memory_space<vmem>> -> memref<9984xi32, #tpu.memory_space<vmem>>
    %dma_wait3A_55 = arith.constant 0 : i32
    %dma_wait3A_56 = tpu.memref_slice %arg3[%dma_wait3A, %dma_wait3A_55] : memref<2x320000xi32, #tpu.memory_space<hbm>> -> memref<1x9984xi32, #tpu.memory_space<hbm>>
    %dma_wait3A_57 = tpu.memref_squeeze %dma_wait3A_56 : memref<1x9984xi32, #tpu.memory_space<hbm>> -> memref<9984xi32, #tpu.memory_space<hbm>>
    tpu.wait_dma2 semaphore(%arg12 : memref<!tpu.dma_semaphore, #tpu.memory_space<semaphore_mem>>) src(%dma_wait3A_57 : memref<9984xi32, #tpu.memory_space<hbm>>) dst(%dma_wait3A_54 : memref<9984xi32, #tpu.memory_space<vmem>>)
    %add3A_58 = arith.constant 0 : i32
    %add3A_59 = arith.addi %mul3A_17, %add3A_58 : i32
    %dma_wait3A_60 = arith.constant 0 : i32
    %dma_wait3A_61 = tpu.memref_slice %arg10[%add3A_59, %dma_wait3A_60] : memref<10240x128xf32, #tpu.memory_space<vmem_shared>> -> memref<128x128xf32, #tpu.memory_space<vmem_shared>>
    %dma_wait3A_62 = arith.constant 0 : i32
    %dma_wait3A_63 = tpu.memref_slice %arg10[%add3A_59, %dma_wait3A_62] : memref<10240x128xf32, #tpu.memory_space<vmem_shared>> -> memref<128x128xf32, #tpu.memory_space<vmem_shared>>
    tpu.wait_dma2 semaphore(%arg13 : memref<!tpu.dma_semaphore, #tpu.memory_space<semaphore_mem>>) src(%arg8 : memref<128x128xf32, #tpu.memory_space<vmem>>) dst(%dma_wait3A_63 : memref<128x128xf32, #tpu.memory_space<vmem_shared>>)
    %add3A_64 = arith.constant 128 : i32
    %add3A_65 = arith.addi %mul3A_17, %add3A_64 : i32
    %dma_wait3A_66 = arith.constant 0 : i32
    %dma_wait3A_67 = tpu.memref_slice %arg10[%add3A_65, %dma_wait3A_66] : memref<10240x128xf32, #tpu.memory_space<vmem_shared>> -> memref<128x128xf32, #tpu.memory_space<vmem_shared>>
    %dma_wait3A_68 = arith.constant 0 : i32
    %dma_wait3A_69 = tpu.memref_slice %arg10[%add3A_65, %dma_wait3A_68] : memref<10240x128xf32, #tpu.memory_space<vmem_shared>> -> memref<128x128xf32, #tpu.memory_space<vmem_shared>>
    tpu.wait_dma2 semaphore(%arg14 : memref<!tpu.dma_semaphore, #tpu.memory_space<semaphore_mem>>) src(%arg8 : memref<128x128xf32, #tpu.memory_space<vmem>>) dst(%dma_wait3A_69 : memref<128x128xf32, #tpu.memory_space<vmem_shared>>)
    %add3A_70 = arith.constant 256 : i32
    %add3A_71 = arith.addi %mul3A_17, %add3A_70 : i32
    %dma_wait3A_72 = arith.constant 0 : i32
    %dma_wait3A_73 = tpu.memref_slice %arg10[%add3A_71, %dma_wait3A_72] : memref<10240x128xf32, #tpu.memory_space<vmem_shared>> -> memref<128x128xf32, #tpu.memory_space<vmem_shared>>
    %dma_wait3A_74 = arith.constant 0 : i32
    %dma_wait3A_75 = tpu.memref_slice %arg10[%add3A_71, %dma_wait3A_74] : memref<10240x128xf32, #tpu.memory_space<vmem_shared>> -> memref<128x128xf32, #tpu.memory_space<vmem_shared>>
    tpu.wait_dma2 semaphore(%arg13 : memref<!tpu.dma_semaphore, #tpu.memory_space<semaphore_mem>>) src(%arg8 : memref<128x128xf32, #tpu.memory_space<vmem>>) dst(%dma_wait3A_75 : memref<128x128xf32, #tpu.memory_space<vmem_shared>>)
    %add3A_76 = arith.constant 384 : i32
    %add3A_77 = arith.addi %mul3A_17, %add3A_76 : i32
    %dma_wait3A_78 = arith.constant 0 : i32
    %dma_wait3A_79 = tpu.memref_slice %arg10[%add3A_77, %dma_wait3A_78] : memref<10240x128xf32, #tpu.memory_space<vmem_shared>> -> memref<128x128xf32, #tpu.memory_space<vmem_shared>>
    %dma_wait3A_80 = arith.constant 0 : i32
    %dma_wait3A_81 = tpu.memref_slice %arg10[%add3A_77, %dma_wait3A_80] : memref<10240x128xf32, #tpu.memory_space<vmem_shared>> -> memref<128x128xf32, #tpu.memory_space<vmem_shared>>
    tpu.wait_dma2 semaphore(%arg14 : memref<!tpu.dma_semaphore, #tpu.memory_space<semaphore_mem>>) src(%arg8 : memref<128x128xf32, #tpu.memory_space<vmem>>) dst(%dma_wait3A_81 : memref<128x128xf32, #tpu.memory_space<vmem_shared>>)
    %add3A_82 = arith.constant 512 : i32
    %add3A_83 = arith.addi %mul3A_17, %add3A_82 : i32
    %dma_wait3A_84 = arith.constant 0 : i32
    %dma_wait3A_85 = tpu.memref_slice %arg10[%add3A_83, %dma_wait3A_84] : memref<10240x128xf32, #tpu.memory_space<vmem_shared>> -> memref<128x128xf32, #tpu.memory_space<vmem_shared>>
    %dma_wait3A_86 = arith.constant 0 : i32
    %dma_wait3A_87 = tpu.memref_slice %arg10[%add3A_83, %dma_wait3A_86] : memref<10240x128xf32, #tpu.memory_space<vmem_shared>> -> memref<128x128xf32, #tpu.memory_space<vmem_shared>>
    tpu.wait_dma2 semaphore(%arg13 : memref<!tpu.dma_semaphore, #tpu.memory_space<semaphore_mem>>) src(%arg8 : memref<128x128xf32, #tpu.memory_space<vmem>>) dst(%dma_wait3A_87 : memref<128x128xf32, #tpu.memory_space<vmem_shared>>)
    %barrier3A = arith.constant 0 : index
    tpu.barrier barrier_id(%barrier3A)
    %add3A_88 = arith.constant 0 : i32
    %add3A_89 = arith.addi %mul3A_2, %add3A_88 : i32
    %dma_start3A_90 = arith.constant 1 : i32
    %dma_start3A_91 = tpu.memref_slice %arg3[%dma_start3A_90, %add3A_89] : memref<2x320000xi32, #tpu.memory_space<hbm>> -> memref<1x128xi32, #tpu.memory_space<hbm>>
    %dma_start3A_92 = tpu.memref_squeeze %dma_start3A_91 : memref<1x128xi32, #tpu.memory_space<hbm>> -> memref<128xi32, #tpu.memory_space<hbm>>
    %dma_start3A_93 = tpu.memref_slice %arg3[%dma_start3A_90, %add3A_89] : memref<2x320000xi32, #tpu.memory_space<hbm>> -> memref<1x128xi32, #tpu.memory_space<hbm>>
    %dma_start3A_94 = tpu.memref_squeeze %dma_start3A_93 : memref<1x128xi32, #tpu.memory_space<hbm>> -> memref<128xi32, #tpu.memory_space<hbm>>
    tpu.enqueue_dma source(%dma_start3A_94 : memref<128xi32, #tpu.memory_space<hbm>>) target(%arg6 : memref<128xi32, #tpu.memory_space<vmem>>) target_semaphore(%arg13 : memref<!tpu.dma_semaphore, #tpu.memory_space<semaphore_mem>>)
    %add3A_95 = arith.constant 128 : i32
    %add3A_96 = arith.addi %mul3A_2, %add3A_95 : i32
    %dma_start3A_97 = arith.constant 1 : i32
    %dma_start3A_98 = tpu.memref_slice %arg3[%dma_start3A_97, %add3A_96] : memref<2x320000xi32, #tpu.memory_space<hbm>> -> memref<1x128xi32, #tpu.memory_space<hbm>>
    %dma_start3A_99 = tpu.memref_squeeze %dma_start3A_98 : memref<1x128xi32, #tpu.memory_space<hbm>> -> memref<128xi32, #tpu.memory_space<hbm>>
    %dma_start3A_100 = tpu.memref_slice %arg3[%dma_start3A_97, %add3A_96] : memref<2x320000xi32, #tpu.memory_space<hbm>> -> memref<1x128xi32, #tpu.memory_space<hbm>>
    %dma_start3A_101 = tpu.memref_squeeze %dma_start3A_100 : memref<1x128xi32, #tpu.memory_space<hbm>> -> memref<128xi32, #tpu.memory_space<hbm>>
    tpu.enqueue_dma source(%dma_start3A_101 : memref<128xi32, #tpu.memory_space<hbm>>) target(%arg7 : memref<128xi32, #tpu.memory_space<vmem>>) target_semaphore(%arg14 : memref<!tpu.dma_semaphore, #tpu.memory_space<semaphore_mem>>)
    %dma_start3A_102 = arith.constant 0 : i32
    %dma_start3A_103 = tpu.memref_slice %arg5[%dma_start3A_102] : memref<10112xi32, #tpu.memory_space<vmem>> -> memref<128xi32, #tpu.memory_space<vmem>>
    %dma_start3A_104 = arith.constant 0 : i32
    %dma_start3A_105 = arith.constant 0 : i32
    %dma_start3A_106 = tpu.memref_slice %arg2[%dma_start3A_104, %dma_start3A_105] : memref<10000x128xf32, #tpu.memory_space<hbm>> -> memref<10000x128xf32, #tpu.memory_space<hbm>>
    tpu.enqueue_indirect_dma source(%dma_start3A_106 : memref<10000x128xf32, #tpu.memory_space<hbm>>) target(%arg8 : memref<128x128xf32, #tpu.memory_space<vmem>>) offsets(%dma_start3A_103 : memref<128xi32, #tpu.memory_space<vmem>>) semaphore(%arg11 : memref<!tpu.dma_semaphore, #tpu.memory_space<semaphore_mem>>)
    %scan3A_107 = arith.constant 0 : i32
    %scan3A_108 = arith.constant 0 : i32
    %scan3A_109 = arith.constant 39 : i32
    %scan3A_110 = arith.addi %scan3A_108, %scan3A_109 : i32
    %scan3A_111 = arith.constant 1 : i32
    scf.for %scan3A_141 = %scan3A_108 to %scan3A_110 step %scan3A_111  : i32 {
      %mul3A_142 = arith.constant 2 : i32
      %mul3A_143 = arith.muli %scan3A_141, %mul3A_142 : i32
      %add3A_144 = arith.constant 1 : i32
      %add3A_145 = arith.addi %mul3A_143, %add3A_144 : i32
      %mul3A_146 = arith.constant 128 : i32
      %mul3A_147 = arith.muli %add3A_145, %mul3A_146 : i32
      %dma_start3A_148 = tpu.memref_slice %arg5[%mul3A_147] : memref<10112xi32, #tpu.memory_space<vmem>> -> memref<128xi32, #tpu.memory_space<vmem>>
      %dma_start3A_149 = arith.constant 0 : i32
      %dma_start3A_150 = arith.constant 0 : i32
      %dma_start3A_151 = tpu.memref_slice %arg2[%dma_start3A_149, %dma_start3A_150] : memref<10000x128xf32, #tpu.memory_space<hbm>> -> memref<10000x128xf32, #tpu.memory_space<hbm>>
      tpu.enqueue_indirect_dma source(%dma_start3A_151 : memref<10000x128xf32, #tpu.memory_space<hbm>>) target(%arg9 : memref<128x128xf32, #tpu.memory_space<vmem>>) offsets(%dma_start3A_148 : memref<128xi32, #tpu.memory_space<vmem>>) semaphore(%arg12 : memref<!tpu.dma_semaphore, #tpu.memory_space<semaphore_mem>>)
      %mul3A_152 = arith.constant 128 : i32
      %mul3A_153 = arith.muli %mul3A_143, %mul3A_152 : i32
      %dma_wait3A_154 = tpu.memref_slice %arg5[%mul3A_153] : memref<10112xi32, #tpu.memory_space<vmem>> -> memref<128xi32, #tpu.memory_space<vmem>>
      %dma_wait3A_155 = arith.constant 0 : i32
      %dma_wait3A_156 = arith.constant 0 : i32
      %dma_wait3A_157 = tpu.memref_slice %arg2[%dma_wait3A_155, %dma_wait3A_156] : memref<10000x128xf32, #tpu.memory_space<hbm>> -> memref<10000x128xf32, #tpu.memory_space<hbm>>
      tpu.wait_indirect_dma semaphore(%arg11 : memref<!tpu.dma_semaphore, #tpu.memory_space<semaphore_mem>>) src(%dma_wait3A_157 : memref<10000x128xf32, #tpu.memory_space<hbm>>) dst(%arg8 : memref<128x128xf32, #tpu.memory_space<vmem>>)
      %add3A_158 = arith.constant 0 : i32
      %add3A_159 = arith.addi %mul3A_2, %add3A_158 : i32
      %dma_wait3A_160 = arith.constant 1 : i32
      %dma_wait3A_161 = tpu.memref_slice %arg3[%dma_wait3A_160, %add3A_159] : memref<2x320000xi32, #tpu.memory_space<hbm>> -> memref<1x128xi32, #tpu.memory_space<hbm>>
      %dma_wait3A_162 = tpu.memref_squeeze %dma_wait3A_161 : memref<1x128xi32, #tpu.memory_space<hbm>> -> memref<128xi32, #tpu.memory_space<hbm>>
      %dma_wait3A_163 = tpu.memref_slice %arg3[%dma_wait3A_160, %add3A_159] : memref<2x320000xi32, #tpu.memory_space<hbm>> -> memref<1x128xi32, #tpu.memory_space<hbm>>
      %dma_wait3A_164 = tpu.memref_squeeze %dma_wait3A_163 : memref<1x128xi32, #tpu.memory_space<hbm>> -> memref<128xi32, #tpu.memory_space<hbm>>
      tpu.wait_dma2 semaphore(%arg13 : memref<!tpu.dma_semaphore, #tpu.memory_space<semaphore_mem>>) src(%dma_wait3A_164 : memref<128xi32, #tpu.memory_space<hbm>>) dst(%arg6 : memref<128xi32, #tpu.memory_space<vmem>>)
      "tpu.region"() ({
        %run_scoped3A = tpu.sem_alloc : memref<!tpu.dma_semaphore, #tpu.memory_space<semaphore_mem>>
        %dma_start3A_209 = arith.constant 0 : i32
        %dma_start3A_210 = arith.constant 0 : i32
        %dma_start3A_211 = tpu.memref_slice %arg10[%dma_start3A_209, %dma_start3A_210] : memref<10240x128xf32, #tpu.memory_space<vmem_shared>> -> memref<10240x128xf32, #tpu.memory_space<vmem_shared>>
        tpu.enqueue_indirect_dma source(%arg8 : memref<128x128xf32, #tpu.memory_space<vmem>>) target(%dma_start3A_211 : memref<10240x128xf32, #tpu.memory_space<vmem_shared>>) offsets(%arg6 : memref<128xi32, #tpu.memory_space<vmem>>) semaphore(%run_scoped3A : memref<!tpu.dma_semaphore, #tpu.memory_space<semaphore_mem>>) {add = true}
        %dma_wait3A_212 = arith.constant 0 : i32
        %dma_wait3A_213 = arith.constant 0 : i32
        %dma_wait3A_214 = tpu.memref_slice %arg10[%dma_wait3A_212, %dma_wait3A_213] : memref<10240x128xf32, #tpu.memory_space<vmem_shared>> -> memref<10240x128xf32, #tpu.memory_space<vmem_shared>>
        tpu.wait_indirect_dma semaphore(%run_scoped3A : memref<!tpu.dma_semaphore, #tpu.memory_space<semaphore_mem>>) src(%arg8 : memref<128x128xf32, #tpu.memory_space<vmem>>) dst(%dma_wait3A_214 : memref<10240x128xf32, #tpu.memory_space<vmem_shared>>)
        tpu.yield
      }) : () -> ()
      %add3A_165 = arith.constant 2 : i32
      %add3A_166 = arith.addi %mul3A_143, %add3A_165 : i32
      %min3A = arith.constant 77 : i32
      %min3A_167 = arith.minsi %add3A_166, %min3A : i32
      %mul3A_168 = arith.constant 128 : i32
      %mul3A_169 = arith.muli %min3A_167, %mul3A_168 : i32
      %add3A_170 = arith.addi %mul3A_2, %mul3A_169 : i32
      %dma_start3A_171 = arith.constant 1 : i32
      %dma_start3A_172 = tpu.memref_slice %arg3[%dma_start3A_171, %add3A_170] : memref<2x320000xi32, #tpu.memory_space<hbm>> -> memref<1x128xi32, #tpu.memory_space<hbm>>
      %dma_start3A_173 = tpu.memref_squeeze %dma_start3A_172 : memref<1x128xi32, #tpu.memory_space<hbm>> -> memref<128xi32, #tpu.memory_space<hbm>>
      %dma_start3A_174 = tpu.memref_slice %arg3[%dma_start3A_171, %add3A_170] : memref<2x320000xi32, #tpu.memory_space<hbm>> -> memref<1x128xi32, #tpu.memory_space<hbm>>
      %dma_start3A_175 = tpu.memref_squeeze %dma_start3A_174 : memref<1x128xi32, #tpu.memory_space<hbm>> -> memref<128xi32, #tpu.memory_space<hbm>>
      tpu.enqueue_dma source(%dma_start3A_175 : memref<128xi32, #tpu.memory_space<hbm>>) target(%arg6 : memref<128xi32, #tpu.memory_space<vmem>>) target_semaphore(%arg13 : memref<!tpu.dma_semaphore, #tpu.memory_space<semaphore_mem>>)
      %mul3A_176 = arith.constant 128 : i32
      %mul3A_177 = arith.muli %min3A_167, %mul3A_176 : i32
      %dma_start3A_178 = tpu.memref_slice %arg5[%mul3A_177] : memref<10112xi32, #tpu.memory_space<vmem>> -> memref<128xi32, #tpu.memory_space<vmem>>
      %dma_start3A_179 = arith.constant 0 : i32
      %dma_start3A_180 = arith.constant 0 : i32
      %dma_start3A_181 = tpu.memref_slice %arg2[%dma_start3A_179, %dma_start3A_180] : memref<10000x128xf32, #tpu.memory_space<hbm>> -> memref<10000x128xf32, #tpu.memory_space<hbm>>
      tpu.enqueue_indirect_dma source(%dma_start3A_181 : memref<10000x128xf32, #tpu.memory_space<hbm>>) target(%arg8 : memref<128x128xf32, #tpu.memory_space<vmem>>) offsets(%dma_start3A_178 : memref<128xi32, #tpu.memory_space<vmem>>) semaphore(%arg11 : memref<!tpu.dma_semaphore, #tpu.memory_space<semaphore_mem>>)
      %add3A_182 = arith.constant 1 : i32
      %add3A_183 = arith.addi %mul3A_143, %add3A_182 : i32
      %mul3A_184 = arith.constant 128 : i32
      %mul3A_185 = arith.muli %add3A_183, %mul3A_184 : i32
      %dma_wait3A_186 = tpu.memref_slice %arg5[%mul3A_185] : memref<10112xi32, #tpu.memory_space<vmem>> -> memref<128xi32, #tpu.memory_space<vmem>>
      %dma_wait3A_187 = arith.constant 0 : i32
      %dma_wait3A_188 = arith.constant 0 : i32
      %dma_wait3A_189 = tpu.memref_slice %arg2[%dma_wait3A_187, %dma_wait3A_188] : memref<10000x128xf32, #tpu.memory_space<hbm>> -> memref<10000x128xf32, #tpu.memory_space<hbm>>
      tpu.wait_indirect_dma semaphore(%arg12 : memref<!tpu.dma_semaphore, #tpu.memory_space<semaphore_mem>>) src(%dma_wait3A_189 : memref<10000x128xf32, #tpu.memory_space<hbm>>) dst(%arg9 : memref<128x128xf32, #tpu.memory_space<vmem>>)
      %add3A_190 = arith.constant 0 : i32
      %add3A_191 = arith.addi %mul3A_2, %add3A_190 : i32
      %dma_wait3A_192 = arith.constant 1 : i32
      %dma_wait3A_193 = tpu.memref_slice %arg3[%dma_wait3A_192, %add3A_191] : memref<2x320000xi32, #tpu.memory_space<hbm>> -> memref<1x128xi32, #tpu.memory_space<hbm>>
      %dma_wait3A_194 = tpu.memref_squeeze %dma_wait3A_193 : memref<1x128xi32, #tpu.memory_space<hbm>> -> memref<128xi32, #tpu.memory_space<hbm>>
      %dma_wait3A_195 = tpu.memref_slice %arg3[%dma_wait3A_192, %add3A_191] : memref<2x320000xi32, #tpu.memory_space<hbm>> -> memref<1x128xi32, #tpu.memory_space<hbm>>
      %dma_wait3A_196 = tpu.memref_squeeze %dma_wait3A_195 : memref<1x128xi32, #tpu.memory_space<hbm>> -> memref<128xi32, #tpu.memory_space<hbm>>
      tpu.wait_dma2 semaphore(%arg14 : memref<!tpu.dma_semaphore, #tpu.memory_space<semaphore_mem>>) src(%dma_wait3A_196 : memref<128xi32, #tpu.memory_space<hbm>>) dst(%arg7 : memref<128xi32, #tpu.memory_space<vmem>>)
      "tpu.region"() ({
        %run_scoped3A = tpu.sem_alloc : memref<!tpu.dma_semaphore, #tpu.memory_space<semaphore_mem>>
        %dma_start3A_209 = arith.constant 0 : i32
        %dma_start3A_210 = arith.constant 0 : i32
        %dma_start3A_211 = tpu.memref_slice %arg10[%dma_start3A_209, %dma_start3A_210] : memref<10240x128xf32, #tpu.memory_space<vmem_shared>> -> memref<10240x128xf32, #tpu.memory_space<vmem_shared>>
        tpu.enqueue_indirect_dma source(%arg9 : memref<128x128xf32, #tpu.memory_space<vmem>>) target(%dma_start3A_211 : memref<10240x128xf32, #tpu.memory_space<vmem_shared>>) offsets(%arg7 : memref<128xi32, #tpu.memory_space<vmem>>) semaphore(%run_scoped3A : memref<!tpu.dma_semaphore, #tpu.memory_space<semaphore_mem>>) {add = true}
        %dma_wait3A_212 = arith.constant 0 : i32
        %dma_wait3A_213 = arith.constant 0 : i32
        %dma_wait3A_214 = tpu.memref_slice %arg10[%dma_wait3A_212, %dma_wait3A_213] : memref<10240x128xf32, #tpu.memory_space<vmem_shared>> -> memref<10240x128xf32, #tpu.memory_space<vmem_shared>>
        tpu.wait_indirect_dma semaphore(%run_scoped3A : memref<!tpu.dma_semaphore, #tpu.memory_space<semaphore_mem>>) src(%arg9 : memref<128x128xf32, #tpu.memory_space<vmem>>) dst(%dma_wait3A_214 : memref<10240x128xf32, #tpu.memory_space<vmem_shared>>)
        tpu.yield
      }) : () -> ()
      %add3A_197 = arith.constant 3 : i32
      %add3A_198 = arith.addi %mul3A_143, %add3A_197 : i32
      %min3A_199 = arith.constant 77 : i32
      %min3A_200 = arith.minsi %add3A_198, %min3A_199 : i32
      %mul3A_201 = arith.constant 128 : i32
      %mul3A_202 = arith.muli %min3A_200, %mul3A_201 : i32
      %add3A_203 = arith.addi %mul3A_2, %mul3A_202 : i32
      %dma_start3A_204 = arith.constant 1 : i32
      %dma_start3A_205 = tpu.memref_slice %arg3[%dma_start3A_204, %add3A_203] : memref<2x320000xi32, #tpu.memory_space<hbm>> -> memref<1x128xi32, #tpu.memory_space<hbm>>
      %dma_start3A_206 = tpu.memref_squeeze %dma_start3A_205 : memref<1x128xi32, #tpu.memory_space<hbm>> -> memref<128xi32, #tpu.memory_space<hbm>>
      %dma_start3A_207 = tpu.memref_slice %arg3[%dma_start3A_204, %add3A_203] : memref<2x320000xi32, #tpu.memory_space<hbm>> -> memref<1x128xi32, #tpu.memory_space<hbm>>
      %dma_start3A_208 = tpu.memref_squeeze %dma_start3A_207 : memref<1x128xi32, #tpu.memory_space<hbm>> -> memref<128xi32, #tpu.memory_space<hbm>>
      tpu.enqueue_dma source(%dma_start3A_208 : memref<128xi32, #tpu.memory_space<hbm>>) target(%arg7 : memref<128xi32, #tpu.memory_space<vmem>>) target_semaphore(%arg14 : memref<!tpu.dma_semaphore, #tpu.memory_space<semaphore_mem>>)
    }
    %scan3A_112 = arith.constant 39 : i32
    %dma_wait3A_113 = arith.constant 9856 : i32
    %dma_wait3A_114 = tpu.memref_slice %arg5[%dma_wait3A_113] : memref<10112xi32, #tpu.memory_space<vmem>> -> memref<128xi32, #tpu.memory_space<vmem>>
    %dma_wait3A_115 = arith.constant 0 : i32
    %dma_wait3A_116 = arith.constant 0 : i32
    %dma_wait3A_117 = tpu.memref_slice %arg2[%dma_wait3A_115, %dma_wait3A_116] : memref<10000x128xf32, #tpu.memory_space<hbm>> -> memref<10000x128xf32, #tpu.memory_space<hbm>>
    tpu.wait_indirect_dma semaphore(%arg11 : memref<!tpu.dma_semaphore, #tpu.memory_space<semaphore_mem>>) src(%dma_wait3A_117 : memref<10000x128xf32, #tpu.memory_space<hbm>>) dst(%arg8 : memref<128x128xf32, #tpu.memory_space<vmem>>)
    %add3A_118 = arith.constant 0 : i32
    %add3A_119 = arith.addi %mul3A_2, %add3A_118 : i32
    %dma_wait3A_120 = arith.constant 1 : i32
    %dma_wait3A_121 = tpu.memref_slice %arg3[%dma_wait3A_120, %add3A_119] : memref<2x320000xi32, #tpu.memory_space<hbm>> -> memref<1x128xi32, #tpu.memory_space<hbm>>
    %dma_wait3A_122 = tpu.memref_squeeze %dma_wait3A_121 : memref<1x128xi32, #tpu.memory_space<hbm>> -> memref<128xi32, #tpu.memory_space<hbm>>
    %dma_wait3A_123 = tpu.memref_slice %arg3[%dma_wait3A_120, %add3A_119] : memref<2x320000xi32, #tpu.memory_space<hbm>> -> memref<1x128xi32, #tpu.memory_space<hbm>>
    %dma_wait3A_124 = tpu.memref_squeeze %dma_wait3A_123 : memref<1x128xi32, #tpu.memory_space<hbm>> -> memref<128xi32, #tpu.memory_space<hbm>>
    tpu.wait_dma2 semaphore(%arg13 : memref<!tpu.dma_semaphore, #tpu.memory_space<semaphore_mem>>) src(%dma_wait3A_124 : memref<128xi32, #tpu.memory_space<hbm>>) dst(%arg6 : memref<128xi32, #tpu.memory_space<vmem>>)
    %add3A_125 = arith.constant 0 : i32
    %add3A_126 = arith.addi %mul3A_2, %add3A_125 : i32
    %dma_wait3A_127 = arith.constant 1 : i32
    %dma_wait3A_128 = tpu.memref_slice %arg3[%dma_wait3A_127, %add3A_126] : memref<2x320000xi32, #tpu.memory_space<hbm>> -> memref<1x128xi32, #tpu.memory_space<hbm>>
    %dma_wait3A_129 = tpu.memref_squeeze %dma_wait3A_128 : memref<1x128xi32, #tpu.memory_space<hbm>> -> memref<128xi32, #tpu.memory_space<hbm>>
    %dma_wait3A_130 = tpu.memref_slice %arg3[%dma_wait3A_127, %add3A_126] : memref<2x320000xi32, #tpu.memory_space<hbm>> -> memref<1x128xi32, #tpu.memory_space<hbm>>
    %dma_wait3A_131 = tpu.memref_squeeze %dma_wait3A_130 : memref<1x128xi32, #tpu.memory_space<hbm>> -> memref<128xi32, #tpu.memory_space<hbm>>
    tpu.wait_dma2 semaphore(%arg14 : memref<!tpu.dma_semaphore, #tpu.memory_space<semaphore_mem>>) src(%dma_wait3A_131 : memref<128xi32, #tpu.memory_space<hbm>>) dst(%arg7 : memref<128xi32, #tpu.memory_space<vmem>>)
    %lt3A = arith.constant 4 : i32
    %lt3A_132 = arith.cmpi slt, %add3A, %lt3A : i32
    %convert_element_type3A = arith.extui %lt3A_132 : i1 to i32
    %cond3A = arith.constant 0 : i32
    %cond3A_133 = arith.cmpi ne, %convert_element_type3A, %cond3A : i32
    scf.if %cond3A_133 {
      %add3A_141 = arith.constant 2496 : i32
      %add3A_142 = arith.addi %add3A_141, %add3A : i32
      %mul3A_143 = arith.constant 128 : i32
      %mul3A_144 = arith.muli %add3A_142, %mul3A_143 : i32
      %run_scoped3A = arith.constant 0 : i32
      "tpu.region"() ({
        %run_scoped3A_167 = tpu.sem_alloc : memref<!tpu.dma_semaphore, #tpu.memory_space<semaphore_mem>>
        %dma_start3A_168 = arith.constant 9984 : i32
        %dma_start3A_169 = tpu.memref_slice %arg5[%dma_start3A_168] : memref<10112xi32, #tpu.memory_space<vmem>> -> memref<128xi32, #tpu.memory_space<vmem>>
        %dma_start3A_170 = tpu.memref_slice %arg3[%run_scoped3A, %mul3A_144] : memref<2x320000xi32, #tpu.memory_space<hbm>> -> memref<1x128xi32, #tpu.memory_space<hbm>>
        %dma_start3A_171 = tpu.memref_squeeze %dma_start3A_170 : memref<1x128xi32, #tpu.memory_space<hbm>> -> memref<128xi32, #tpu.memory_space<hbm>>
        %dma_start3A_172 = arith.constant 9984 : i32
        %dma_start3A_173 = tpu.memref_slice %arg5[%dma_start3A_172] : memref<10112xi32, #tpu.memory_space<vmem>> -> memref<128xi32, #tpu.memory_space<vmem>>
        %dma_start3A_174 = tpu.memref_slice %arg3[%run_scoped3A, %mul3A_144] : memref<2x320000xi32, #tpu.memory_space<hbm>> -> memref<1x128xi32, #tpu.memory_space<hbm>>
        %dma_start3A_175 = tpu.memref_squeeze %dma_start3A_174 : memref<1x128xi32, #tpu.memory_space<hbm>> -> memref<128xi32, #tpu.memory_space<hbm>>
        tpu.enqueue_dma source(%dma_start3A_175 : memref<128xi32, #tpu.memory_space<hbm>>) target(%dma_start3A_173 : memref<128xi32, #tpu.memory_space<vmem>>) target_semaphore(%run_scoped3A_167 : memref<!tpu.dma_semaphore, #tpu.memory_space<semaphore_mem>>)
        %dma_wait3A_176 = arith.constant 9984 : i32
        %dma_wait3A_177 = tpu.memref_slice %arg5[%dma_wait3A_176] : memref<10112xi32, #tpu.memory_space<vmem>> -> memref<128xi32, #tpu.memory_space<vmem>>
        %dma_wait3A_178 = tpu.memref_slice %arg3[%run_scoped3A, %mul3A_144] : memref<2x320000xi32, #tpu.memory_space<hbm>> -> memref<1x128xi32, #tpu.memory_space<hbm>>
        %dma_wait3A_179 = tpu.memref_squeeze %dma_wait3A_178 : memref<1x128xi32, #tpu.memory_space<hbm>> -> memref<128xi32, #tpu.memory_space<hbm>>
        %dma_wait3A_180 = arith.constant 9984 : i32
        %dma_wait3A_181 = tpu.memref_slice %arg5[%dma_wait3A_180] : memref<10112xi32, #tpu.memory_space<vmem>> -> memref<128xi32, #tpu.memory_space<vmem>>
        %dma_wait3A_182 = tpu.memref_slice %arg3[%run_scoped3A, %mul3A_144] : memref<2x320000xi32, #tpu.memory_space<hbm>> -> memref<1x128xi32, #tpu.memory_space<hbm>>
        %dma_wait3A_183 = tpu.memref_squeeze %dma_wait3A_182 : memref<1x128xi32, #tpu.memory_space<hbm>> -> memref<128xi32, #tpu.memory_space<hbm>>
        tpu.wait_dma2 semaphore(%run_scoped3A_167 : memref<!tpu.dma_semaphore, #tpu.memory_space<semaphore_mem>>) src(%dma_wait3A_183 : memref<128xi32, #tpu.memory_space<hbm>>) dst(%dma_wait3A_181 : memref<128xi32, #tpu.memory_space<vmem>>)
        tpu.yield
      }) : () -> ()
      %dma_start3A_145 = arith.constant 1 : i32
      %dma_start3A_146 = tpu.memref_slice %arg3[%dma_start3A_145, %mul3A_144] : memref<2x320000xi32, #tpu.memory_space<hbm>> -> memref<1x128xi32, #tpu.memory_space<hbm>>
      %dma_start3A_147 = tpu.memref_squeeze %dma_start3A_146 : memref<1x128xi32, #tpu.memory_space<hbm>> -> memref<128xi32, #tpu.memory_space<hbm>>
      %dma_start3A_148 = tpu.memref_slice %arg3[%dma_start3A_145, %mul3A_144] : memref<2x320000xi32, #tpu.memory_space<hbm>> -> memref<1x128xi32, #tpu.memory_space<hbm>>
      %dma_start3A_149 = tpu.memref_squeeze %dma_start3A_148 : memref<1x128xi32, #tpu.memory_space<hbm>> -> memref<128xi32, #tpu.memory_space<hbm>>
      tpu.enqueue_dma source(%dma_start3A_149 : memref<128xi32, #tpu.memory_space<hbm>>) target(%arg6 : memref<128xi32, #tpu.memory_space<vmem>>) target_semaphore(%arg13 : memref<!tpu.dma_semaphore, #tpu.memory_space<semaphore_mem>>)
      %dma_start3A_150 = arith.constant 9984 : i32
      %dma_start3A_151 = tpu.memref_slice %arg5[%dma_start3A_150] : memref<10112xi32, #tpu.memory_space<vmem>> -> memref<128xi32, #tpu.memory_space<vmem>>
      %dma_start3A_152 = arith.constant 0 : i32
      %dma_start3A_153 = arith.constant 0 : i32
      %dma_start3A_154 = tpu.memref_slice %arg2[%dma_start3A_152, %dma_start3A_153] : memref<10000x128xf32, #tpu.memory_space<hbm>> -> memref<10000x128xf32, #tpu.memory_space<hbm>>
      tpu.enqueue_indirect_dma source(%dma_start3A_154 : memref<10000x128xf32, #tpu.memory_space<hbm>>) target(%arg8 : memref<128x128xf32, #tpu.memory_space<vmem>>) offsets(%dma_start3A_151 : memref<128xi32, #tpu.memory_space<vmem>>) semaphore(%arg11 : memref<!tpu.dma_semaphore, #tpu.memory_space<semaphore_mem>>)
      %dma_wait3A_155 = arith.constant 9984 : i32
      %dma_wait3A_156 = tpu.memref_slice %arg5[%dma_wait3A_155] : memref<10112xi32, #tpu.memory_space<vmem>> -> memref<128xi32, #tpu.memory_space<vmem>>
      %dma_wait3A_157 = arith.constant 0 : i32
      %dma_wait3A_158 = arith.constant 0 : i32
      %dma_wait3A_159 = tpu.memref_slice %arg2[%dma_wait3A_157, %dma_wait3A_158] : memref<10000x128xf32, #tpu.memory_space<hbm>> -> memref<10000x128xf32, #tpu.memory_space<hbm>>
      tpu.wait_indirect_dma semaphore(%arg11 : memref<!tpu.dma_semaphore, #tpu.memory_space<semaphore_mem>>) src(%dma_wait3A_159 : memref<10000x128xf32, #tpu.memory_space<hbm>>) dst(%arg8 : memref<128x128xf32, #tpu.memory_space<vmem>>)
      %add3A_160 = arith.constant 0 : i32
      %add3A_161 = arith.addi %mul3A_2, %add3A_160 : i32
      %dma_wait3A_162 = arith.constant 1 : i32
      %dma_wait3A_163 = tpu.memref_slice %arg3[%dma_wait3A_162, %add3A_161] : memref<2x320000xi32, #tpu.memory_space<hbm>> -> memref<1x128xi32, #tpu.memory_space<hbm>>
      %dma_wait3A_164 = tpu.memref_squeeze %dma_wait3A_163 : memref<1x128xi32, #tpu.memory_space<hbm>> -> memref<128xi32, #tpu.memory_space<hbm>>
      %dma_wait3A_165 = tpu.memref_slice %arg3[%dma_wait3A_162, %add3A_161] : memref<2x320000xi32, #tpu.memory_space<hbm>> -> memref<1x128xi32, #tpu.memory_space<hbm>>
      %dma_wait3A_166 = tpu.memref_squeeze %dma_wait3A_165 : memref<1x128xi32, #tpu.memory_space<hbm>> -> memref<128xi32, #tpu.memory_space<hbm>>
      tpu.wait_dma2 semaphore(%arg13 : memref<!tpu.dma_semaphore, #tpu.memory_space<semaphore_mem>>) src(%dma_wait3A_166 : memref<128xi32, #tpu.memory_space<hbm>>) dst(%arg6 : memref<128xi32, #tpu.memory_space<vmem>>)
      "tpu.region"() ({
        %run_scoped3A_167 = tpu.sem_alloc : memref<!tpu.dma_semaphore, #tpu.memory_space<semaphore_mem>>
        %dma_start3A_168 = arith.constant 0 : i32
        %dma_start3A_169 = arith.constant 0 : i32
        %dma_start3A_170 = tpu.memref_slice %arg10[%dma_start3A_168, %dma_start3A_169] : memref<10240x128xf32, #tpu.memory_space<vmem_shared>> -> memref<10240x128xf32, #tpu.memory_space<vmem_shared>>
        tpu.enqueue_indirect_dma source(%arg8 : memref<128x128xf32, #tpu.memory_space<vmem>>) target(%dma_start3A_170 : memref<10240x128xf32, #tpu.memory_space<vmem_shared>>) offsets(%arg6 : memref<128xi32, #tpu.memory_space<vmem>>) semaphore(%run_scoped3A_167 : memref<!tpu.dma_semaphore, #tpu.memory_space<semaphore_mem>>) {add = true}
        %dma_wait3A_171 = arith.constant 0 : i32
        %dma_wait3A_172 = arith.constant 0 : i32
        %dma_wait3A_173 = tpu.memref_slice %arg10[%dma_wait3A_171, %dma_wait3A_172] : memref<10240x128xf32, #tpu.memory_space<vmem_shared>> -> memref<10240x128xf32, #tpu.memory_space<vmem_shared>>
        tpu.wait_indirect_dma semaphore(%run_scoped3A_167 : memref<!tpu.dma_semaphore, #tpu.memory_space<semaphore_mem>>) src(%arg8 : memref<128x128xf32, #tpu.memory_space<vmem>>) dst(%dma_wait3A_173 : memref<10240x128xf32, #tpu.memory_space<vmem_shared>>)
        tpu.yield
      }) : () -> ()
    } else {
    }
    %barrier3A_134 = arith.constant 0 : index
    tpu.barrier barrier_id(%barrier3A_134)
    %mul3A_135 = arith.constant 624 : i32
    %mul3A_136 = arith.muli %arg1, %mul3A_135 : i32
    "tpu.region"() ({
      %run_scoped3A = tpu.sem_alloc : memref<!tpu.dma_semaphore, #tpu.memory_space<semaphore_mem>>
      %dma_start3A_141 = arith.constant 0 : i32
      %dma_start3A_142 = tpu.memref_slice %arg4[%arg0, %mul3A_136, %dma_start3A_141] : memref<2x10000x128xf32, #tpu.memory_space<hbm>> -> memref<1x624x128xf32, #tpu.memory_space<hbm>>
      %dma_start3A_143 = tpu.memref_squeeze %dma_start3A_142 : memref<1x624x128xf32, #tpu.memory_space<hbm>> -> memref<624x128xf32, #tpu.memory_space<hbm>>
      %dma_start3A_144 = arith.constant 0 : i32
      %dma_start3A_145 = tpu.memref_slice %arg10[%mul3A_136, %dma_start3A_144] : memref<10240x128xf32, #tpu.memory_space<vmem_shared>> -> memref<624x128xf32, #tpu.memory_space<vmem_shared>>
      tpu.enqueue_dma source(%dma_start3A_145 : memref<624x128xf32, #tpu.memory_space<vmem_shared>>) target(%dma_start3A_143 : memref<624x128xf32, #tpu.memory_space<hbm>>) target_semaphore(%run_scoped3A : memref<!tpu.dma_semaphore, #tpu.memory_space<semaphore_mem>>)
      %dma_wait3A_146 = arith.constant 0 : i32
      %dma_wait3A_147 = tpu.memref_slice %arg4[%arg0, %mul3A_136, %dma_wait3A_146] : memref<2x10000x128xf32, #tpu.memory_space<hbm>> -> memref<1x624x128xf32, #tpu.memory_space<hbm>>
      %dma_wait3A_148 = tpu.memref_squeeze %dma_wait3A_147 : memref<1x624x128xf32, #tpu.memory_space<hbm>> -> memref<624x128xf32, #tpu.memory_space<hbm>>
      %dma_wait3A_149 = arith.constant 0 : i32
      %dma_wait3A_150 = tpu.memref_slice %arg10[%mul3A_136, %dma_wait3A_149] : memref<10240x128xf32, #tpu.memory_space<vmem_shared>> -> memref<624x128xf32, #tpu.memory_space<vmem_shared>>
      tpu.wait_dma2 semaphore(%run_scoped3A : memref<!tpu.dma_semaphore, #tpu.memory_space<semaphore_mem>>) src(%dma_wait3A_150 : memref<624x128xf32, #tpu.memory_space<vmem_shared>>) dst(%dma_wait3A_148 : memref<624x128xf32, #tpu.memory_space<hbm>>)
      tpu.yield
    }) : () -> ()
    %eq3A = arith.constant 15 : i32
    %eq3A_137 = arith.cmpi eq, %arg1, %eq3A : i32
    %convert_element_type3A_138 = arith.extui %eq3A_137 : i1 to i32
    %cond3A_139 = arith.constant 0 : i32
    %cond3A_140 = arith.cmpi ne, %convert_element_type3A_138, %cond3A_139 : i32
    scf.if %cond3A_140 {
      "tpu.region"() ({
        %run_scoped3A = tpu.sem_alloc : memref<!tpu.dma_semaphore, #tpu.memory_space<semaphore_mem>>
        %dma_start3A_141 = arith.constant 9984 : i32
        %dma_start3A_142 = arith.constant 0 : i32
        %dma_start3A_143 = tpu.memref_slice %arg4[%arg0, %dma_start3A_141, %dma_start3A_142] : memref<2x10000x128xf32, #tpu.memory_space<hbm>> -> memref<1x16x128xf32, #tpu.memory_space<hbm>>
        %dma_start3A_144 = tpu.memref_squeeze %dma_start3A_143 : memref<1x16x128xf32, #tpu.memory_space<hbm>> -> memref<16x128xf32, #tpu.memory_space<hbm>>
        %dma_start3A_145 = arith.constant 9984 : i32
        %dma_start3A_146 = arith.constant 0 : i32
        %dma_start3A_147 = tpu.memref_slice %arg10[%dma_start3A_145, %dma_start3A_146] : memref<10240x128xf32, #tpu.memory_space<vmem_shared>> -> memref<16x128xf32, #tpu.memory_space<vmem_shared>>
        tpu.enqueue_dma source(%dma_start3A_147 : memref<16x128xf32, #tpu.memory_space<vmem_shared>>) target(%dma_start3A_144 : memref<16x128xf32, #tpu.memory_space<hbm>>) target_semaphore(%run_scoped3A : memref<!tpu.dma_semaphore, #tpu.memory_space<semaphore_mem>>)
        %dma_wait3A_148 = arith.constant 9984 : i32
        %dma_wait3A_149 = arith.constant 0 : i32
        %dma_wait3A_150 = tpu.memref_slice %arg4[%arg0, %dma_wait3A_148, %dma_wait3A_149] : memref<2x10000x128xf32, #tpu.memory_space<hbm>> -> memref<1x16x128xf32, #tpu.memory_space<hbm>>
        %dma_wait3A_151 = tpu.memref_squeeze %dma_wait3A_150 : memref<1x16x128xf32, #tpu.memory_space<hbm>> -> memref<16x128xf32, #tpu.memory_space<hbm>>
        %dma_wait3A_152 = arith.constant 9984 : i32
        %dma_wait3A_153 = arith.constant 0 : i32
        %dma_wait3A_154 = tpu.memref_slice %arg10[%dma_wait3A_152, %dma_wait3A_153] : memref<10240x128xf32, #tpu.memory_space<vmem_shared>> -> memref<16x128xf32, #tpu.memory_space<vmem_shared>>
        tpu.wait_dma2 semaphore(%run_scoped3A : memref<!tpu.dma_semaphore, #tpu.memory_space<semaphore_mem>>) src(%dma_wait3A_154 : memref<16x128xf32, #tpu.memory_space<vmem_shared>>) dst(%dma_wait3A_151 : memref<16x128xf32, #tpu.memory_space<hbm>>)
        tpu.yield
      }) : () -> ()
    } else {
    }
    return
  }
}

</mosaic_0001>

<sc_bundles>
// kernel: _sc_aggregate.3.cloned.1.call-start
scs
__scs_entry_jumppad:
0x0: {  	(pc) =	sbr.rel $0x88, $3  }
0x1: {  	(tag) =	ssettag $0x0;
	lr =	simm.s32 $0x1  }
0x2: {  	[smem:$0x3F9F] =	sst lr;
	_ =	strace $0xD0000000  }
0x3: {  	_ = 	snop  }
0x4: {  	_ = 	snop  }
0x5: {  	_ = 	snop  }
0x6: {  	_ = 	snop  }
0x7: {  	_ = 	snop  }
__scs_overlays_trampoline_lowered:
0x8: {  	[smem:$0x3FAE] =	sst s0  }
0x9: {  	[smem:$0x3FAF] =	sst s1  }
0xa: {  	[smem:$0x3FB0] =	sst s2  }
0xb: {  	[smem:$0x3FB1] =	sst s3  }
0xc: {  	[smem:$0x3FB2] =	sst s4  }
0xd: {  	[smem:$0x3FB3] =	sst s5  }
0xe: {  	[smem:$0x3FB4] =	sst s6  }
0xf: {  	[smem:$0x3FB5] =	sst s7  }
0x10: {  	[smem:$0x3FB6] =	sst s8  }
0x11: {  	[smem:$0x3FB7] =	sst s9;
	s0 =	simm.s32 @!p0 $0x0  }
0x12: {  	s1 =	sld [smem:$0x3F9D];
	s0 =	simm.s32 @p0 $0x1  }
0x13: {  	[smem:$0x3FB8] =	sst s0;
	s0 =	simm.s32 @!p1 $0x0  }
0x14: {  	s2 =	sld [smem:$0x3F9C];
	s0 =	simm.s32 @p1 $0x1  }
0x15: {  	[smem:$0x3FB9] =	sst s0;
	s0 =	simm.s32 @!p2 $0x0  }
0x16: {  	s3 =	sld [smem:$0x3FDB];
	s0 =	simm.s32 @p2 $0x1  }
0x17: {  	s4 =	simm.s32 $0x1BF5;
	[smem:$0x3FBB] =	sst s0  }
0x18: {  	s0 =	sld [smem:$0x3F9E];
	_ =	swait.ge [sflag:s4], $0x0  }
0x19: {  	s7 =	sld [smem:$0x3F9F]  }
0x1a: {  	s8 =	sadd.s32 $0xFFFFE003, lr  }
0x1b: {  	s9 =	sadd.s32 $0xFFFFFEF7, lr;
	s5 =	simm.s32 $0xFFFFFFFF;
	p2 =	slt.u32 s8, $0xFFFFF086  }
0x1c: {  	p1 =	slt.u32 s9, $0xF7A;
	s5 =	simm.s32 @!p2 $0x0  }
0x1d: {  	s5 =	simm.s32 @p1 $0x1;
	p0 =	seq.s32 s7, s2  }
0x1e: {  	s7 =	smul.u32 @!p0 $0xF7A, s2;
	p2 =	seq.s32 @!p0 s5, $0x0  }
0x1f: {  	s9 =	smul.u32 $0xF7A, s1;
	s8 =	simm.s32 @!p0 $0x1BF5;
	p2 =	por !p2, p0  }
0x20: {  	[sflag:s8] =	ssyncset.s32 @!p0 $0xFFFFF086;
	s6 =	sadd.s32 @!p0 s3, s7;
	s7 =	simm.s32 @!p0 $0x108  }
0x21: {  	s3 =	sadd.s32 s3, s9;
	s6 =	sadd.s32 @!p0 $0x88, s6;
	s7 =	simm.s32 @p2 $0x1082  }
0x22: {  	[simem:s7], [sflag:s8] =	dma.local @!p0 [hbm:s6], $0xF7A  }
0x23: {  	s9 =	sor.u32 $0xD0000000, s2;
	s6 =	simm.s32 $0x108;
	_ =	swait.ge @!p0 [sflag:s8], $0x0  }
0x24: {  	s3 =	sadd.s32 $0x88, s3;
	s6 =	simm.s32 @!p1 $0x1082;
	[sflag:s4] =	ssyncset.s32 $0xFFFFF086  }
0x25: {  	[simem:s6], [sflag:s4] =	dma.local [hbm:s3], $0xF7A  }
0x26: {  	[smem:$0x3F9F] =	sst s1;
	(tag) =	ssettag s2;
	_ =	strace s9  }
0x27: {  	s1 =	sld [smem:$0x3FAF]  }
0x28: {  	s2 =	sld [smem:$0x3FB0]  }
0x29: {  	s4 =	sld [smem:$0x3FB2]  }
0x2a: {  	p0 =	seq.s32 s5, $0x0;
	s5 =	sld [smem:$0x3FB3]  }
0x2b: {  	s6 =	sld [smem:$0x3FB4]  }
0x2c: {  	s7 =	sld [smem:$0x3FB5]  }
0x2d: {  	s3 =	simm.s32 $0x108;
	s8 =	sld [smem:$0x3FB6]  }
0x2e: {  	s3 =	simm.s32 @!p0 $0x1082;
	s9 =	sld [smem:$0x3FB7]  }
0x2f: {  	lr =	sadd.s32 s0, s3;
	s0 =	sld [smem:$0x3FAE]  }
0x30: {  	s3 =	sld [smem:$0x3FB1]  }
0x31: {  	[smem:$0x3FBA] =	sst s10  }
0x32: {  	s10 =	sld [smem:$0x3FB8];
	_ =	sdelay $0x3  }
0x33: {  	p0 =	seq.s32 s10, $0x1;
	s10 =	sld [smem:$0x3FBA];
	_ =	sdelay $0x3  }
0x34: {  	[smem:$0x3FBA] =	sst s10  }
0x35: {  	s10 =	sld [smem:$0x3FB9];
	_ =	sdelay $0x3  }
0x36: {  	p1 =	seq.s32 s10, $0x1;
	s10 =	sld [smem:$0x3FBA];
	_ =	sdelay $0x3  }
0x37: {  	[smem:$0x3FBA] =	sst s10  }
0x38: {  	s10 =	sld [smem:$0x3FBB]  }
0x39: {  	_ = 	snop;
	(pc) =	sbr.ind lr, $3  }
0x3a: {  	_ = 	snop  }
0x3b: {  	_ = 	snop  }
0x3c: {  	p2 =	seq.s32 s10, $0x1;
	s10 =	sld [smem:$0x3FBA]  }
0x3d: {  	_ =	shalt  }
0x3e: {  	_ =	shalt  }
0x3f: {  	_ =	shalt  }
0x40: {  	_ =	shalt  }
0x41: {  	_ =	shalt  }
0x42: {  	_ =	shalt  }
0x43: {  	_ =	shalt  }
0x44: {  	_ =	shalt  }
0x45: {  	_ =	shalt  }
0x46: {  	_ =	shalt  }
0x47: {  	_ =	shalt  }
0x48: {  	_ =	shalt  }
0x49: {  	_ =	shalt  }
0x4a: {  	_ =	shalt  }
0x4b: {  	_ =	shalt  }
0x4c: {  	_ =	shalt  }
0x4d: {  	_ =	shalt  }
0x4e: {  	_ =	shalt  }
0x4f: {  	_ =	shalt  }
0x50: {  	_ =	shalt  }
0x51: {  	_ =	shalt  }
0x52: {  	_ =	shalt  }
0x53: {  	_ =	shalt  }
0x54: {  	_ =	shalt  }
0x55: {  	_ =	shalt  }
0x56: {  	_ =	shalt  }
0x57: {  	_ =	shalt  }
0x58: {  	_ =	shalt  }
0x59: {  	_ =	shalt  }
0x5a: {  	_ =	shalt  }
0x5b: {  	_ =	shalt  }
0x5c: {  	_ =	shalt  }
0x5d: {  	_ =	shalt  }
0x5e: {  	_ =	shalt  }
0x5f: {  	_ =	shalt  }
0x60: {  	_ =	shalt  }
0x61: {  	_ =	shalt  }
0x62: {  	_ =	shalt  }
0x63: {  	_ =	shalt  }
0x64: {  	_ =	shalt  }
0x65: {  	_ =	shalt  }
0x66: {  	_ =	shalt  }
0x67: {  	_ =	shalt  }
0x68: {  	_ =	shalt  }
0x69: {  	_ =	shalt  }
0x6a: {  	_ =	shalt  }
0x6b: {  	_ =	shalt  }
0x6c: {  	_ =	shalt  }
0x6d: {  	_ =	shalt  }
0x6e: {  	_ =	shalt  }
0x6f: {  	_ =	shalt  }
0x70: {  	_ =	shalt  }
0x71: {  	_ =	shalt  }
0x72: {  	_ =	shalt  }
0x73: {  	_ =	shalt  }
0x74: {  	_ =	shalt  }
0x75: {  	_ =	shalt  }
0x76: {  	_ =	shalt  }
0x77: {  	_ =	shalt  }
0x78: {  	_ =	shalt  }
0x79: {  	_ =	shalt  }
0x7a: {  	_ =	shalt  }
0x7b: {  	_ =	shalt  }
0x7c: {  	_ =	shalt  }
0x7d: {  	_ =	shalt  }
0x7e: {  	_ =	shalt  }
0x7f: {  	_ =	shalt  }
0x80: {  	_ =	shalt  }
0x81: {  	_ =	shalt  }
0x82: {  	_ =	shalt  }
0x83: {  	_ =	shalt  }
0x84: {  	_ =	shalt  }
0x85: {  	_ =	shalt  }
0x86: {  	_ =	shalt  }
0x87: {  	_ =	shalt  }
.Lfunc_end0:
.L_simem_size_0:
called_computation_lowered:
.L_overlay_start_0:
0x88: {  	s2 =	sld [smem:$0x3FD9]  }
0x89: {  	s3 =	sld [smem:$0x3FFE];
	_ =	sdelay $0x1  }
0x8a: {  	s1 =	srdreg.scid  }
0x8b: {  	s0 =	sand.u32 $0x1, s1  }
0x8c: {  	s18 =	sshll.u32 s0, $0xA;
	s2 =	sadd.s32 s3, s2  }
0x8d: {  	s2 =	sadd.s32 s2, s18  }
0x8e: {  	[smem:$0x3FC6] =	sst s2  }
0x8f: {  	_ = 	snop  }
0x90: {  	s2 =	sld [smem:$0x3FC9]  }
0x91: {  	s19 =	sld [smem:$0x3FC8]  }
0x92: {  	s4 =	sld [smem:$0x3FD0];
	(tm) =	ssettm $0x1  }
0x93: {  	s5 =	sld [smem:$0x3FFB];
	_ =	sdelay $0x3  }
0x94: {  	_ =	strace s5  }
0x95: {  	s5 =	sld [smem:$0x3FFC];
	_ =	sdelay $0x3  }
0x96: {  	_ =	strace s5  }
0x97: {  	s5 =	sld [smem:$0x3FFD];
	_ =	sdelay $0x3  }
0x98: {  	_ =	strace s5  }
0x99: {  	_ =	strace $0x8FFFFFFF  }
0x9a: {  	s20 =	sld [smem:$0x3FDB];
	_ =	sdelay $0x1  }
0x9b: {  	s6 =	simm.s32 $_scs_section_size  }
0x9c: {  	s7 =	simm.s32 $_size__tile_overlayer_lowered;
	s8 =	simm.s32 $_tile_overlayer_lowered  }
0x9d: {  	s23 =	simm.s32 $0x1BFF;
	s22 =	sshll.u32 s8, $0x1;
	s5 =	sadd.s32 s6, s20  }
0x9e: {  	s9 =	simm.s32 $0x0;
	s21 =	sshll.u32 s7, $0x1;
	s7 =	sadd.s32 s22, s5  }
0x9f: {  	[timem:s9], [sflag:s23] =	dma.local [hbm:s7], s21  }
0xa0: {  	_ =	swait.ge [sflag:s23], s21  }
0xa1: {  	s6 =	ssub.s32 $0x0, s21;
	[sflag:s23] =	ssyncset.done $0x0  }
0xa2: {  	[sflag:s23] =	ssyncadd.s32 s6;
	_ =	sdelay $0x1  }
0xa3: {  	s24 =	simm.s32 $0x1B8B  }
0xa4: {  	_ =	swait.ge [sflag:s24], $0x1  }
0xa5: {  	[sflag:s24] =	ssyncset.done $0x0  }
0xa6: {  	s25 =	simm.s32 $0x1B8E;
	[sflag:s24] =	ssyncadd.s32 $0xFFFFFFFF  }
0xa7: {  	s26 =	simm.s32 $execute0_lowered;
	[smem:$0x3FD2] =	sst s25  }
0xa8: {  	s6 =	sshll.u32 s26, $0x1;
	_ =	strace $0x80000046;
	[dreg:$0x1] =	wrdreg $0xFFFFFFFF  }
0xa9: {  	s28 =	simm.s32 $_size_execute0_lowered;
	s5 =	sadd.s32 s5, s6;
	[dreg:$0x0] =	wrdreg $0x0  }
0xaa: {  	s6 =	sshll.u32 s28, $0x1;
	[dreg:$0x2] =	wrdreg s5  }
0xab: {  	[dreg:$0x3] =	wrdreg s6  }
0xac: {  	[dreg:$0x4] =	wrdreg $0xC0  }
0xad: {  	_ =	task [dreg:s9], $0x5FFFF  }
0xae: {  	[dreg:$0x1] =	wrdreg $0xFFFFFFFF  }
0xaf: {  	[dreg:$0x0] =	wrdreg $0x60  }
0xb0: {  	[dreg:$0x2] =	wrdreg s2  }
0xb1: {  	[dreg:$0x3] =	wrdreg s19  }
0xb2: {  	[dreg:$0x4] =	wrdreg s4  }
0xb3: {  	[dreg:$0x5] =	wrdreg $0xA8800  }
0xb4: {  	[dreg:$0x6] =	wrdreg $0x9  }
0xb5: {  	_ =	task.clear_ibuf [dreg:s9], $0x7FFFF;
	_ =	strace $0x90000046  }
0xb6: {  	s29 =	simm.s32 $0x9;
	_ =	strace $0x80000048  }
0xb7: {  	_ =	swait.ge [sflag:s29], $0x1  }
0xb8: {  	[sflag:s29] =	ssyncadd.s32 $0xFFFFFFFF  }
0xb9: {  	_ =	strace $0x90000048  }
0xba: {  	_ =	sfence  }
0xbb: {  	s30 =	sld [smem:$0x0];
	_ =	sdelay $0x2  }
0xbc: {  	s31 =	sshll.u32 s1, $0xD;
	s1 =	sshrl.u32 s1, $0x2  }
0xbd: {  	s3 =	sand.u32 $0x4000, s31;
	s1 =	sadd.s32 s1, s30  }
0xbe: {  	s0 =	sor.u32 s3, s0;
	s1 =	sshll.u32 s1, $0x11  }
0xbf: {  	s0 =	sor.u32 s1, s0  }
0xc0: {  	s0 =	sadd.s32 $0x8F2B, s0  }
0xc1: {  	[sflag:s0] =	ssyncadd.remote.s32 $0x1  }
0xc2: {  	_ =	sfence.sel $0xFFFF  }
0xc3: {  	[dreg:$0x0] =	wrdreg $0xFFFFFFFF;
	(pc) =	sbr.abs _section_cstart, $3  }
0xc4: {  	[dreg:$0x1] =	wrdreg $0xFFFFFFFF  }
0xc5: {  	_ =	task.clear_ibuf [dreg:s9], $0x2FFFF;
	_ =	strace $0x9FFFFFFF  }
0xc6: {  	(tm) =	ssettm $0x7FFFFFFF  }
0xc7: {  	_ =	shalt  }
tec
execute0_lowered:
.L_overlay_start_1:
0x0: {  	(tag) =	ssettag $0x1  }
0x1: {  	s1 =	rddreg [dreg:$0x0]  }
0x2: {  	s0 =	rddreg [dreg:$0x1]  }
0x3: {  	s3 =	rddreg [dreg:$0x2]  }
0x4: {  	s2 =	rddreg [dreg:$0x3]  }
0x5: {  	s4 =	srdreg.scid;
	s15 =	stileid.u32  }
0x6: {  	s28 =	simm.s32 $0x2880;
	s29 =	simm.s32 $0x2;
	s30 =	simm.s32 $0x3  }
0x7: {  	s31 =	simm.s32 $0x4;
	s5 =	sand.u32 $0x1, s4;
	s25 =	smul.u32 $0x50000, s15  }
0x8: {  	s4 =	simm.s32 $0x0;
	s12 =	sshll.u32 s15, $0x5;
	s22 =	smul.u32 $0x4E000, s15  }
0x9: {  	s23 =	smul.u32 $0x2700, s15;
	p1 =	sne.s32 s15, $0xF;
	s6 =	sshll.u32 s5, $0x4  }
0xa: {  	s7 =	ssub.s32 $0x2, s5;
	[smem:$0x7FF] =	sst s4;
	s12 =	sadd.s32 s12, s0  }
0xb: {  	s8 =	sor.u32 s15, s6;
	s9 =	sshrl.u32 s7, $0x1;
	_ =	strace $0x80000047  }
0xc: {  	s6 =	sshrl.u32 s25, $0x2;
	s19 =	sadd.s32 $0x13800, s12;
	s20 =	sadd.s32 $0x13810, s12  }
0xd: {  	s12 =	sshrl.u32 s22, $0x2;
	s10 =	smul.u32 $0x9C0, s8;
	s7 =	ssub.s32 s7, s9  }
0xe: {  	s26 =	smul.u32 $0x2700, s8;
	s6 =	sadd.s32 s6, s2;
	[dreg:$0xc] =	wrdreg s19  }
0xf: {  	[dreg:$0xd] =	wrdreg s20;
	s24 =	sadd.s32 s12, s2;
	p0 =	sgt.u32 s8, $0x3  }
0x10: {  	s8 =	simm.s32 $0x5;
	s11 =	sadd.s32 $0x4000, s6;
	s13 =	sadd.s32 $0x8000, s6  }
0x11: {  	s14 =	sadd.s32 $0xC000, s6;
	s17 =	sadd.s32 $0x10000, s6;
	[dreg:$0x6] =	wrdreg s11  }
0x12: {  	s24 =	sshrl.u32 s24, $0x3;
	[dreg:$0x7] =	wrdreg s13;
	s13 =	smul.u32 $0x138800, s5  }
0x13: {  	s16 =	sadd.s32 s0, s10;
	[dreg:$0x8] =	wrdreg s14;
	s14 =	smul.u32 $0x13800, s15  }
0x14: {  	[dreg:$0x9] =	wrdreg s17;
	s11 =	sadd.s32 $0x10, s0;
	s5 =	smul.u32 $0x27000, s5  }
0x15: {  	s9 =	sshrl.u32 s26, $0x2;
	s10 =	sadd.s32 s10, s11;
	[dreg:$0x5] =	wrdreg s16  }
0x16: {  	s18 =	sadd.s32 $0x30, s16;
	s25 =	sadd.s32 s11, s9;
	[dreg:$0xa] =	wrdreg s10  }
0x17: {  	s9 =	simm.s32 $0x2680;
	[dreg:$0xb] =	wrdreg s18;
	s21 =	sadd.s32 s14, s13  }
0x18: {  	s13 =	sshrl.u32 s13, $0x3;
	s5 =	sadd.s32 s23, s5;
	s18 =	smax.u32 s7, $0x1  }
0x19: {  	s19 =	sadd.s32 $0x9A0, s25;
	s20 =	sadd.s32 $0x980, s25;
	s23 =	simm.s32 $0x80  }
0x1a: {  	s7 =	simm.s32 $0x1;
	s10 =	sshrl.u32 s21, $0x3;
	s13 =	sadd.s32 s3, s13  }
0x1b: {  	s26 =	sshrl.u32 s5, $0x2;
	s22 =	sadd.s32 $0x100, s5;
	s16 =	sadd.s32 s3, s10  }
0x1c: {  	s17 =	sadd.s32 $0x27000, s13;
	s10 =	sadd.s32 $0x138000, s2;
	s0 =	sadd.s32 s0, s26  }
0x1d: {  	s26 =	simm.s32 $0x2800;
	s3 =	simm.s32 $0x6880;
	s21 =	sadd.s32 $0x60, s0  }
0x1e: {  	v0 =	vimm.f32 $0.0e+00;
	s25 =	sshrl.u32 @!p1 s10, $0x3;
	s0 =	simm.s32 $0x2780;
	s10 =	simm.s32 $0x0  }
.LBB2_1:
0x1f: {  	s5 =	rddreg [dreg:$0x5];
	s12 =	simm.s32 $0x100  }
0x20: {  	[tilespmem:s4], [sflag:$0x2] =	stream.strided.gather [hbm4b:s5+s23], $0x2700, s12, s23, $0x38;
	[tilespmem:$0x1E880] =	vst v63  }
0x21: {  	s5 =	simm.s32 $0x0;
	s12 =	simm.s32 $0x200  }
.LBB2_2:
0x22: {  	p2 =	sne.s32 s12, $0xFE00;
	[tilespmem:s5+$0x28F0] =	vst v0  }
0x23: {  	[tilespmem:s5+$0x2880] =	vst v0  }
0x24: {  	[tilespmem:s5+$0x2890] =	vst v0  }
.Ltmp0:
0x25: {  	[tilespmem:s5+$0x28A0] =	vst v0;
	(pc) =	sbr.rel @p2 .LBB2_2-.Ltmp0, $4  }
0x26: {  	[tilespmem:s5+$0x28B0] =	vst v0  }
0x27: {  	[tilespmem:s5+$0x28C0] =	vst v0  }
0x28: {  	[tilespmem:s5+$0x28D0] =	vst v0  }
0x29: {  	[tilespmem:s5+$0x28E0] =	vst v0;
	s5 =	sshra.s32 s12, $0x2;
	s12 =	sadd.s32 $0x200, s12  }
0x2a: {  	[tilespmem:s5+$0x28F0] =	vst v0  }
0x2b: {  	[tilespmem:s5+$0x2880] =	vst v0  }
0x2c: {  	[tilespmem:s5+$0x2890] =	vst v0  }
0x2d: {  	[tilespmem:s5+$0x28A0] =	vst v0  }
0x2e: {  	[tilespmem:s5+$0x28B0] =	vst v0  }
0x2f: {  	[tilespmem:s5+$0x28C0] =	vst v0  }
0x30: {  	[tilespmem:s5+$0x28D0] =	vst v0  }
0x31: {  	[tilespmem:s5+$0x28E0] =	vst v0  }
0x32: {  	[spmem:s6] =	stream.linear.scatter [tilespmem:s28], [sflag:$0x3], $0x4000, $0x38;
	[tilespmem:$0x1E880] =	vst v63  }
0x33: {  	s15 =	rddreg [dreg:$0x6]  }
0x34: {  	[spmem:s15] =	stream.linear.scatter [tilespmem:s28], [sflag:$0x4], $0x4000, $0x38;
	[tilespmem:$0x1E880] =	vst v63  }
0x35: {  	s12 =	rddreg [dreg:$0x7]  }
0x36: {  	[spmem:s12] =	stream.linear.scatter [tilespmem:s28], [sflag:$0x3], $0x4000, $0x38;
	[tilespmem:$0x1E880] =	vst v63  }
0x37: {  	s13 =	rddreg [dreg:$0x8]  }
0x38: {  	[spmem:s13] =	stream.linear.scatter [tilespmem:s28], [sflag:$0x4], $0x4000, $0x38;
	[tilespmem:$0x1E880] =	vst v63  }
0x39: {  	s14 =	rddreg [dreg:$0x9]  }
0x3a: {  	[spmem:s14] =	stream.linear.scatter [tilespmem:s28], [sflag:$0x3], $0x4000, $0x38;
	[tilespmem:$0x1E880] =	vst v63  }
0x3b: {  	_ =	swait.ge [sflag:s29], $0x2700  }
0x3c: {  	[sflag:s29] =	ssyncset.done $0x0  }
0x3d: {  	[sflag:s29] =	ssyncadd.s32 $0xFFFFD900  }
0x3e: {  	_ =	swait.ge [sflag:s30], $0x4000  }
0x3f: {  	[sflag:s30] =	ssyncset.done $0x0  }
0x40: {  	[sflag:s30] =	ssyncadd.s32 $0xFFFFC000  }
0x41: {  	_ =	swait.ge [sflag:s31], $0x4000  }
0x42: {  	[sflag:s31] =	ssyncset.done $0x0  }
0x43: {  	[sflag:s31] =	ssyncadd.s32 $0xFFFFC000  }
0x44: {  	_ =	swait.ge [sflag:s30], $0x4000  }
0x45: {  	[sflag:s30] =	ssyncset.done $0x0  }
0x46: {  	[sflag:s30] =	ssyncadd.s32 $0xFFFFC000  }
0x47: {  	_ =	swait.ge [sflag:s31], $0x4000  }
0x48: {  	[sflag:s31] =	ssyncset.done $0x0  }
0x49: {  	[sflag:s31] =	ssyncadd.s32 $0xFFFFC000  }
0x4a: {  	_ =	swait.ge [sflag:s30], $0x4000  }
0x4b: {  	[sflag:s30] =	ssyncset.done $0x0  }
0x4c: {  	[sflag:s30] =	ssyncadd.s32 $0xFFFFC000  }
0x4d: {  	[bflag:$0x0] =	sbarrier.arrive $0xFFFF  }
0x4e: {  	s15 =	rddreg [dreg:$0xa]  }
0x4f: {  	[tilespmem:s0], [sflag:$0x3] =	stream.linear.gather [hbm4b:s15+s4], $0x80, $0x38;
	[tilespmem:$0x1E880] =	vst v63  }
0x50: {  	s12 =	rddreg [dreg:$0xb]  }
0x51: {  	[tilespmem:s26], [sflag:$0x4] =	stream.linear.gather [hbm4b:s12+s4], $0x80, $0x38;
	[tilespmem:$0x1E880] =	vst v63  }
0x52: {  	s13 =	simm.s32 $0x80  }
0x53: {  	[tilespmem:s28], [sflag:$0x1] =	stream.indirect.gather [hbm4b:s1+s13], $0x80, s4, s13, $0xb8;
	[tilespmem:$0x1E880] =	vst v63  }
0x54: {  	_ = 	snop  }
0x55: {  	[tilespmem:s3], [sflag:$0x2] =	stream.indirect.gather [hbm4b:s1+s23], $0x80, s13, s23, $0xb8;
	[tilespmem:$0x1E880] =	vst v63  }
0x56: {  	_ =	swait.ge [sflag:s7], $0x4000  }
0x57: {  	[sflag:s7] =	ssyncset.done $0x0  }
0x58: {  	[sflag:s7] =	ssyncadd.s32 $0xFFFFC000  }
0x59: {  	_ =	swait.ge [sflag:s30], $0x80  }
0x5a: {  	[sflag:s30] =	ssyncset.done $0x0  }
0x5b: {  	[sflag:s30] =	ssyncadd.s32 $0xFFFFFF80  }
0x5c: {  	[spmem:s2] =	stream.indirect.scatter.add.f32 [tilespmem:s28], [sflag:$0x5], $0x80, s0, s23, $0xb8;
	[tilespmem:$0x1E880] =	vst v63  }
0x5d: {  	_ =	swait.ge [sflag:s8], $0x4000  }
0x5e: {  	s14 =	sshrl.u32 s22, $0x2;
	[sflag:s8] =	ssyncset.done $0x0  }
0x5f: {  	s5 =	sadd.s32 s14, s11;
	[sflag:s8] =	ssyncadd.s32 $0xFFFFC000  }
0x60: {  	[tilespmem:s0], [sflag:$0x3] =	stream.linear.gather [hbm4b:s5+s4], $0x80, $0x38;
	[tilespmem:$0x1E880] =	vst v63  }
0x61: {  	s15 =	simm.s32 $0x100  }
0x62: {  	[tilespmem:s28], [sflag:$0x1] =	stream.indirect.gather [hbm4b:s1+s23], $0x80, s15, s23, $0xb8;
	[tilespmem:$0x1E880] =	vst v63  }
0x63: {  	_ =	swait.ge [sflag:s29], $0x4000  }
0x64: {  	[sflag:s29] =	ssyncset.done $0x0  }
0x65: {  	[sflag:s29] =	ssyncadd.s32 $0xFFFFC000  }
0x66: {  	_ =	swait.ge [sflag:s31], $0x80  }
0x67: {  	[sflag:s31] =	ssyncset.done $0x0  }
0x68: {  	[sflag:s31] =	ssyncadd.s32 $0xFFFFFF80  }
0x69: {  	[spmem:s2] =	stream.indirect.scatter.add.f32 [tilespmem:s3], [sflag:$0x5], $0x80, s26, s23, $0xb8;
	[tilespmem:$0x1E880] =	vst v63  }
0x6a: {  	_ =	swait.ge [sflag:s8], $0x4000  }
0x6b: {  	s14 =	sadd.s32 $0x10, s21;
	s12 =	sadd.s32 $0x100, s22;
	[sflag:s8] =	ssyncset.done $0x0  }
0x6c: {  	s13 =	simm.s32 $0x180;
	s5 =	simm.s32 $0x50;
	[sflag:s8] =	ssyncadd.s32 $0xFFFFC000  }
.LBB2_4:
0x6d: {  	[tilespmem:s26], [sflag:$0x4] =	stream.linear.gather [hbm4b:s14+s4], $0x80, $0x38;
	[tilespmem:$0x1E880] =	vst v63  }
0x6e: {  	p2 =	sne.s32 s5, $0x910;
	s14 =	smov.u32 s5;
	s5 =	sadd.s32 $0x40, s5  }
0x6f: {  	[tilespmem:s3], [sflag:$0x2] =	stream.indirect.gather [hbm4b:s1+s23], $0x80, s13, s23, $0xb8;
	[tilespmem:$0x1E880] =	vst v63  }
0x70: {  	_ =	swait.ge [sflag:s7], $0x4000  }
0x71: {  	[sflag:s7] =	ssyncset.done $0x0  }
0x72: {  	[sflag:s7] =	ssyncadd.s32 $0xFFFFC000  }
0x73: {  	_ =	swait.ge [sflag:s30], $0x80  }
0x74: {  	[sflag:s30] =	ssyncset.done $0x0  }
0x75: {  	[sflag:s30] =	ssyncadd.s32 $0xFFFFFF80  }
0x76: {  	[spmem:s2] =	stream.indirect.scatter.add.f32 [tilespmem:s28], [sflag:$0x5], $0x80, s0, s23, $0xb8;
	[tilespmem:$0x1E880] =	vst v63  }
0x77: {  	_ =	swait.ge [sflag:s8], $0x4000  }
0x78: {  	s15 =	sshrl.u32 s12, $0x2;
	[sflag:s8] =	ssyncset.done $0x0  }
0x79: {  	s15 =	sadd.s32 s15, s11;
	[sflag:s8] =	ssyncadd.s32 $0xFFFFC000  }
0x7a: {  	[tilespmem:s0], [sflag:$0x3] =	stream.linear.gather [hbm4b:s15+s4], $0x80, $0x38;
	[tilespmem:$0x1E880] =	vst v63  }
0x7b: {  	s15 =	sadd.s32 $0x80, s13  }
0x7c: {  	[tilespmem:s28], [sflag:$0x1] =	stream.indirect.gather [hbm4b:s1+s23], $0x80, s15, s23, $0xb8;
	[tilespmem:$0x1E880] =	vst v63  }
0x7d: {  	_ =	swait.ge [sflag:s29], $0x4000  }
0x7e: {  	[sflag:s29] =	ssyncset.done $0x0  }
0x7f: {  	[sflag:s29] =	ssyncadd.s32 $0xFFFFC000  }
0x80: {  	_ =	swait.ge [sflag:s31], $0x80  }
0x81: {  	[sflag:s31] =	ssyncset.done $0x0  }
.Ltmp1:
0x82: {  	[sflag:s31] =	ssyncadd.s32 $0xFFFFFF80;
	(pc) =	sbr.rel @p2 .LBB2_4-.Ltmp1, $4  }
0x83: {  	[spmem:s2] =	stream.indirect.scatter.add.f32 [tilespmem:s3], [sflag:$0x5], $0x80, s26, s23, $0xb8;
	[tilespmem:$0x1E880] =	vst v63  }
0x84: {  	_ =	swait.ge [sflag:s8], $0x4000  }
0x85: {  	s12 =	sadd.s32 $0x100, s12;
	[sflag:s8] =	ssyncset.done $0x0  }
0x86: {  	s14 =	sadd.s32 s14, s21;
	s13 =	sadd.s32 $0x100, s13;
	[sflag:s8] =	ssyncadd.s32 $0xFFFFC000  }
0x87: {  	[tilespmem:s26], [sflag:$0x4] =	stream.linear.gather [hbm4b:s14+s4], $0x80, $0x38;
	[tilespmem:$0x1E880] =	vst v63  }
0x88: {  	s5 =	simm.s32 $0x2580  }
0x89: {  	[tilespmem:s3], [sflag:$0x2] =	stream.indirect.gather [hbm4b:s1+s23], $0x80, s5, s23, $0xb8;
	[tilespmem:$0x1E880] =	vst v63  }
0x8a: {  	_ =	swait.ge [sflag:s7], $0x4000  }
0x8b: {  	[sflag:s7] =	ssyncset.done $0x0  }
0x8c: {  	[sflag:s7] =	ssyncadd.s32 $0xFFFFC000  }
0x8d: {  	_ =	swait.ge [sflag:s30], $0x80  }
0x8e: {  	[sflag:s30] =	ssyncset.done $0x0  }
0x8f: {  	[sflag:s30] =	ssyncadd.s32 $0xFFFFFF80  }
0x90: {  	[spmem:s2] =	stream.indirect.scatter.add.f32 [tilespmem:s28], [sflag:$0x5], $0x80, s0, s23, $0xb8;
	[tilespmem:$0x1E880] =	vst v63  }
0x91: {  	_ =	swait.ge [sflag:s8], $0x4000  }
0x92: {  	[sflag:s8] =	ssyncset.done $0x0  }
0x93: {  	[sflag:s8] =	ssyncadd.s32 $0xFFFFC000  }
0x94: {  	[tilespmem:s0], [sflag:$0x3] =	stream.linear.gather [hbm4b:s20+s4], $0x80, $0x38;
	[tilespmem:$0x1E880] =	vst v63  }
0x95: {  	s14 =	simm.s32 $0x2600  }
0x96: {  	[tilespmem:s28], [sflag:$0x1] =	stream.indirect.gather [hbm4b:s1+s23], $0x80, s14, s23, $0xb8;
	[tilespmem:$0x1E880] =	vst v63  }
0x97: {  	_ =	swait.ge [sflag:s29], $0x4000  }
0x98: {  	[sflag:s29] =	ssyncset.done $0x0  }
0x99: {  	[sflag:s29] =	ssyncadd.s32 $0xFFFFC000  }
0x9a: {  	_ =	swait.ge [sflag:s31], $0x80  }
0x9b: {  	[sflag:s31] =	ssyncset.done $0x0  }
0x9c: {  	[sflag:s31] =	ssyncadd.s32 $0xFFFFFF80  }
0x9d: {  	[spmem:s2] =	stream.indirect.scatter.add.f32 [tilespmem:s3], [sflag:$0x5], $0x80, s26, s23, $0xb8;
	[tilespmem:$0x1E880] =	vst v63  }
0x9e: {  	_ =	swait.ge [sflag:s8], $0x4000  }
0x9f: {  	[sflag:s8] =	ssyncset.done $0x0  }
0xa0: {  	[sflag:s8] =	ssyncadd.s32 $0xFFFFC000  }
0xa1: {  	[tilespmem:s26], [sflag:$0x4] =	stream.linear.gather [hbm4b:s19+s4], $0x80, $0x38;
	[tilespmem:$0x1E880] =	vst v63  }
0xa2: {  	_ = 	snop  }
0xa3: {  	[tilespmem:s3], [sflag:$0x2] =	stream.indirect.gather [hbm4b:s1+s23], $0x80, s9, s23, $0xb8;
	[tilespmem:$0x1E880] =	vst v63  }
0xa4: {  	_ =	swait.ge [sflag:s7], $0x4000  }
0xa5: {  	[sflag:s7] =	ssyncset.done $0x0  }
0xa6: {  	[sflag:s7] =	ssyncadd.s32 $0xFFFFC000  }
0xa7: {  	_ =	swait.ge [sflag:s30], $0x80  }
0xa8: {  	[sflag:s30] =	ssyncset.done $0x0  }
0xa9: {  	[sflag:s30] =	ssyncadd.s32 $0xFFFFFF80  }
0xaa: {  	[spmem:s2] =	stream.indirect.scatter.add.f32 [tilespmem:s28], [sflag:$0x5], $0x80, s0, s23, $0xb8;
	[tilespmem:$0x1E880] =	vst v63  }
0xab: {  	_ =	swait.ge [sflag:s8], $0x4000  }
0xac: {  	[sflag:s8] =	ssyncset.done $0x0  }
0xad: {  	[sflag:s8] =	ssyncadd.s32 $0xFFFFC000  }
0xae: {  	[tilespmem:s0], [sflag:$0x3] =	stream.linear.gather [hbm4b:s19+s4], $0x80, $0x38;
	[tilespmem:$0x1E880] =	vst v63  }
0xaf: {  	_ = 	snop  }
0xb0: {  	[tilespmem:s28], [sflag:$0x1] =	stream.indirect.gather [hbm4b:s1+s23], $0x80, s9, s23, $0xb8;
	[tilespmem:$0x1E880] =	vst v63  }
0xb1: {  	_ =	swait.ge [sflag:s29], $0x4000  }
0xb2: {  	[sflag:s29] =	ssyncset.done $0x0  }
0xb3: {  	[sflag:s29] =	ssyncadd.s32 $0xFFFFC000  }
0xb4: {  	_ =	swait.ge [sflag:s31], $0x80  }
0xb5: {  	[sflag:s31] =	ssyncset.done $0x0  }
0xb6: {  	[sflag:s31] =	ssyncadd.s32 $0xFFFFFF80  }
0xb7: {  	[spmem:s2] =	stream.indirect.scatter.add.f32 [tilespmem:s3], [sflag:$0x5], $0x80, s26, s23, $0xb8;
	[tilespmem:$0x1E880] =	vst v63  }
0xb8: {  	_ =	swait.ge [sflag:s8], $0x4000  }
0xb9: {  	[sflag:s8] =	ssyncset.done $0x0  }
0xba: {  	[sflag:s8] =	ssyncadd.s32 $0xFFFFC000  }
0xbb: {  	[tilespmem:s26], [sflag:$0x4] =	stream.linear.gather [hbm4b:s19+s4], $0x80, $0x38;
	[tilespmem:$0x1E880] =	vst v63  }
0xbc: {  	_ =	swait.ge [sflag:s7], $0x4000  }
0xbd: {  	[sflag:s7] =	ssyncset.done $0x0  }
0xbe: {  	[sflag:s7] =	ssyncadd.s32 $0xFFFFC000  }
0xbf: {  	_ =	swait.ge [sflag:s30], $0x80  }
0xc0: {  	[sflag:s30] =	ssyncset.done $0x0  }
0xc1: {  	[sflag:s30] =	ssyncadd.s32 $0xFFFFFF80  }
0xc2: {  	_ =	swait.ge [sflag:s31], $0x80  }
0xc3: {  	s12 =	simm.s32 @!p0 $0x2700;
	[sflag:s31] =	ssyncset.done $0x0  }
0xc4: {  	s5 =	simm.s32 @!p0 $0x0;
	s13 =	rddreg [dreg:$0xc];
	[sflag:s31] =	ssyncadd.s32 $0xFFFFFF80  }
0xc5: {  	[tilespmem:s12], [sflag:$0x5] =	stream.linear.gather @!p0 [hbm4b:s13+s5], $0x80, $0x38;
	[tilespmem:$0x1E880] =	vst v63  }
0xc6: {  	s13 =	simm.s32 @!p0 $0x5  }
0xc7: {  	_ =	swait.ge @!p0 [sflag:s13], $0x80  }
0xc8: {  	[sflag:s13] =	ssyncset.done @!p0 $0x0  }
0xc9: {  	s14 =	simm.s32 @!p0 $0x2780;
	s15 =	rddreg [dreg:$0xd];
	[sflag:s13] =	ssyncadd.s32 @!p0 $0xFFFFFF80  }
0xca: {  	[tilespmem:s14], [sflag:$0x3] =	stream.linear.gather @!p0 [hbm4b:s15+s5], $0x80, $0x38;
	[tilespmem:$0x1E880] =	vst v63  }
0xcb: {  	s5 =	simm.s32 @!p0 $0x80;
	s15 =	simm.s32 @!p0 $0x2880  }
0xcc: {  	[tilespmem:s15], [sflag:$0x1] =	stream.indirect.gather @!p0 [hbm4b:s1+s5], $0x80, s12, s5, $0xb8;
	[tilespmem:$0x1E880] =	vst v63  }
0xcd: {  	s12 =	simm.s32 @!p0 $0x1  }
0xce: {  	_ =	swait.ge @!p0 [sflag:s12], $0x4000  }
0xcf: {  	[sflag:s12] =	ssyncset.done @!p0 $0x0  }
0xd0: {  	[sflag:s12] =	ssyncadd.s32 @!p0 $0xFFFFC000;
	s12 =	simm.s32 @!p0 $0x3  }
0xd1: {  	_ =	swait.ge @!p0 [sflag:s12], $0x80  }
0xd2: {  	[sflag:s12] =	ssyncset.done @!p0 $0x0  }
0xd3: {  	[sflag:s12] =	ssyncadd.s32 @!p0 $0xFFFFFF80  }
0xd4: {  	[spmem:s2] =	stream.indirect.scatter.add.f32 @!p0 [tilespmem:s15], [sflag:$0x5], $0x80, s14, s5, $0xb8;
	[tilespmem:$0x1E880] =	vst v63  }
0xd5: {  	_ =	swait.ge @!p0 [sflag:s13], $0x4000  }
0xd6: {  	s15 =	stileid.u32;
	[sflag:s13] =	ssyncset.done @!p0 $0x0  }
0xd7: {  	s5 =	sshll.u32 s15, $0x6;
	[sflag:s13] =	ssyncadd.s32 @!p0 $0xFFFFC000  }
0xd8: {  	s5 =	sor.u32 $0x1C05, s5;
	[bflag:$0x0] =	sbarrier.arrive $0xFFFF  }
0xd9: {  	[hbm:s16], [sflag:s5] =	dma.local [spmem:s24], $0x2700  }
0xda: {  	_ =	swait.ge [sflag:s8], $0x2700  }
0xdb: {  	s10 =	sadd.s32 $0x1, s10;
	[sflag:s8] =	ssyncset.done $0x0  }
0xdc: {  	p2 =	sne.s32 s10, s18;
	[sflag:s8] =	ssyncadd.s32 $0xFFFFD900  }
0xdd: {  	[hbm:s17], [sflag:s5] =	dma.local @!p1 [spmem:s25], $0x100  }
.Ltmp2:
0xde: {  	_ = 	snop;
	(pc) =	sbr.rel @p2 .LBB2_1-.Ltmp2, $4  }
0xdf: {  	s5 =	simm.s32 @!p1 $0x5  }
0xe0: {  	_ =	swait.ge @!p1 [sflag:s5], $0x100  }
0xe1: {  	[sflag:s5] =	ssyncset.done @!p1 $0x0  }
0xe2: {  	[sflag:s5] =	ssyncadd.s32 @!p1 $0xFFFFFF00  }
0xe3: {  	_ =	sfence.sel $0x180000  }
0xe4: {  	[bflag:$0x0] =	sbarrier.arrive $0xFFFF  }
0xe5: {  	_ =	strace $0x90000047  }
0xe6: {  	s0 =	stileid.u32;
	[bflag:$0x2] =	sbarrier.arrive $0xFFFF  }
0xe7: {  	p0 =	sne.s32 s0, $0x0;
	s0 =	rddreg [dreg:$0x4]  }
0xe8: {  	s0 =	sadd.s32 @!p0 $0x100000, s0  }
0xe9: {  	[sflag:s0] =	ssyncadd.tile.s32 @!p0 $0x1;
	_ =	shalt  }
.Lfunc_end2:
_tile_overlayer_lowered:
.L_overlay_start_2:
0xea: {  	(tag) =	ssettag $0x2  }
0xeb: {  	s0 =	rddreg [dreg:$0x0];
	s2 =	stileid.u32  }
0xec: {  	s1 =	rddreg [dreg:$0x1];
	p0 =	sne.s32 s2, $0x0  }
0xed: {  	s3 =	rddreg [dreg:$0x2];
	[bflag:$0x3] =	sbarrier.arrive $0xFFFF;
	s2 =	simm.s32 @!p0 $0x1C05  }
0xee: {  	[timem:s3], [sflag:s2] =	dma.local @!p0 [hbm:s0], s1  }
0xef: {  	s0 =	simm.s32 @!p0 $0x5  }
0xf0: {  	_ =	swait.ge @!p0 [sflag:s0], s1  }
0xf1: {  	s1 =	ssub.s32 @!p0 $0x0, s1;
	[sflag:s0] =	ssyncset.done @!p0 $0x0  }
0xf2: {  	[sflag:s0] =	ssyncadd.s32 @!p0 s1  }
0xf3: {  	[bflag:$0x3] =	sbarrier.arrive $0xFFFF  }
0xf4: {  	_ =	shalt  }

</sc_bundles>
